<compile_context>
chip_gen: v7x
topology: tpu7x:2x2x1
jax: 0.10.2.dev20260603
libtpu: 0.0.44.dev20260713+nightly
codegen_flags: <defaults>
</compile_context>

<pallas_src>
import functools

import jax
import jax.numpy as jnp
from jax import lax
from jax.experimental import pallas as pl
from jax.experimental.pallas import tpu as pltpu
from jax.experimental.pallas import tpu_sc as plsc

N = 10000
E = 320000
D_IN = 128
D_H = 256
D_Z = 64

NUM_CORES = 2
NUM_TILES = 16
EPT = E // NUM_TILES
CHUNK = 128
NMAIN = EPT // CHUNK
TAIL = EPT - NMAIN * CHUNK
N_PAD = 10240
ROWS_PT = N_PAD // NUM_TILES
FLUSH_B = 128


def _sc_aggregate(x, srcs, dsts, zrow, ones):
  mesh = plsc.VectorSubcoreMesh(core_axis_name="c", subcore_axis_name="s",
                                num_cores=NUM_CORES)

  @functools.partial(
      pl.kernel,
      out_type=(
          jax.ShapeDtypeStruct((NUM_CORES, N_PAD, D_IN), jnp.float32),
          jax.ShapeDtypeStruct((NUM_CORES, N_PAD, D_IN), jnp.float32),
      ),
      mesh=mesh,
      scratch_types=dict(
          idx_s0=pltpu.VMEM((CHUNK,), jnp.int32),
          idx_s1=pltpu.VMEM((CHUNK,), jnp.int32),
          idx_d0=pltpu.VMEM((CHUNK,), jnp.int32),
          idx_d1=pltpu.VMEM((CHUNK,), jnp.int32),
          idx_d2=pltpu.VMEM((CHUNK,), jnp.int32),
          idx_d3=pltpu.VMEM((CHUNK,), jnp.int32),
          idx_st=pltpu.VMEM((TAIL,), jnp.int32),
          idx_dt=pltpu.VMEM((TAIL,), jnp.int32),
          rows0=pltpu.VMEM((CHUNK, D_IN), jnp.float32),
          rows1=pltpu.VMEM((CHUNK, D_IN), jnp.float32),
          rows_t=pltpu.VMEM((TAIL, D_IN), jnp.float32),
          semg0=pltpu.SemaphoreType.DMA,
          semg1=pltpu.SemaphoreType.DMA,
          sems0=pltpu.SemaphoreType.DMA,
          sems1=pltpu.SemaphoreType.DMA,
          acc=pltpu.VMEM_SHARED((N_PAD, D_IN), jnp.float32),
      ),
  )
  def k(x_hbm, srcs_hbm, dsts_hbm, zrow_hbm, ones_hbm, sums_hbm, degs_hbm,
        idx_s0, idx_s1, idx_d0, idx_d1, idx_d2, idx_d3, idx_st, idx_dt,
        rows0, rows1, rows_t, semg0, semg1, sems0, sems1, acc):
    c = lax.axis_index("c")
    s = lax.axis_index("s")
    r0 = s * ROWS_PT
    base = c * E + s * EPT
    NPAIR = NMAIN // 2
    toff = pl.multiple_of(base + NMAIN * CHUNK, 8)

    def off(j):
      return pl.multiple_of(base + j * CHUNK, 8)

    def zero_acc():
      pltpu.sync_copy(zrow_hbm, rows0)
      for j in range(ROWS_PT // FLUSH_B):
        pltpu.sync_copy(rows0, acc.at[pl.ds(r0 + j * FLUSH_B, FLUSH_B)])

    def flush(out_hbm):
      for j in range(ROWS_PT // FLUSH_B):
        r = r0 + j * FLUSH_B
        pltpu.sync_copy(acc.at[pl.ds(r, FLUSH_B)], rows0)
        pltpu.sync_copy(rows0, out_hbm.at[c, pl.ds(r, FLUSH_B)])

    zero_acc()
    plsc.subcore_barrier()

    pltpu.sync_copy(srcs_hbm.at[pl.ds(off(0), CHUNK)], idx_s0)
    pltpu.sync_copy(dsts_hbm.at[pl.ds(off(0), CHUNK)], idx_d0)
    pltpu.async_copy(x_hbm.at[idx_s0], rows0, semg0)
    pltpu.sync_copy(srcs_hbm.at[pl.ds(off(1), CHUNK)], idx_s1)
    pltpu.sync_copy(dsts_hbm.at[pl.ds(off(1), CHUNK)], idx_d1)

    @pl.loop(0, NPAIR)
    def pair(p):
      a = 2 * p
      gb = pltpu.async_copy(x_hbm.at[idx_s1], rows1, semg1)
      pltpu.make_async_copy(x_hbm.at[idx_s0], rows0, semg0).wait()
      sa = pltpu.async_copy(rows0, acc.at[idx_d0], sems0, add=True)
      gb.wait()
      sb = pltpu.async_copy(rows1, acc.at[idx_d1], sems1, add=True)
      sa.wait()

      @pl.when(p < NPAIR - 1)
      def _():
        pltpu.sync_copy(srcs_hbm.at[pl.ds(off(a + 2), CHUNK)], idx_s0)
        pltpu.sync_copy(dsts_hbm.at[pl.ds(off(a + 2), CHUNK)], idx_d0)
        pltpu.async_copy(x_hbm.at[idx_s0], rows0, semg0)

      sb.wait()

      @pl.when(p < NPAIR - 1)
      def _():
        pltpu.sync_copy(srcs_hbm.at[pl.ds(off(a + 3), CHUNK)], idx_s1)
        pltpu.sync_copy(dsts_hbm.at[pl.ds(off(a + 3), CHUNK)], idx_d1)

    pltpu.sync_copy(srcs_hbm.at[pl.ds(toff, TAIL)], idx_st)
    pltpu.sync_copy(dsts_hbm.at[pl.ds(toff, TAIL)], idx_dt)
    pltpu.async_copy(x_hbm.at[idx_st], rows_t, semg0).wait()
    pltpu.sync_copy(rows_t, acc.at[idx_dt], add=True)

    plsc.subcore_barrier()
    flush(sums_hbm)
    plsc.subcore_barrier()

    zero_acc()
    pltpu.sync_copy(ones_hbm, rows0)
    plsc.subcore_barrier()

    idx_bufs = (idx_d0, idx_d1, idx_d2, idx_d3)
    sem_bufs = (semg0, semg1, sems0, sems1)
    NQUAD = NMAIN // 4
    for b in range(4):
      pltpu.sync_copy(dsts_hbm.at[pl.ds(off(b), CHUNK)], idx_bufs[b])

    @pl.loop(0, NQUAD)
    def quad2(q):
      a = 4 * q
      cps = [pltpu.async_copy(rows0, acc.at[idx_bufs[b]], sem_bufs[b],
                              add=True) for b in range(4)]
      for b in range(4):
        cps[b].wait()

        @pl.when(q < NQUAD - 1)
        def _():
          pltpu.sync_copy(dsts_hbm.at[pl.ds(off(a + 4 + b), CHUNK)],
                          idx_bufs[b])

    pltpu.sync_copy(dsts_hbm.at[pl.ds(toff, TAIL)], idx_dt)
    pltpu.sync_copy(ones_hbm.at[pl.ds(0, TAIL)], rows_t)
    pltpu.sync_copy(rows_t, acc.at[idx_dt], add=True)

    plsc.subcore_barrier()
    flush(degs_hbm)

  return k(x, srcs, dsts, zrow, ones)


BN = 400


def _dense_body(S_ref, D_ref, Wenc_ref, benc_ref, Wf1_ref, bf1_ref,
                Wf2_ref, bf2_ref, Wdec_ref, bdec_ref, xrec_ref, zpre_ref):
  S = S_ref[...]
  D = D_ref[...]
  Wenc = Wenc_ref[...]
  benc = benc_ref[...]

  def view(v):
    d = D[v, :, 0:1]
    m = S[v] / jnp.maximum(d, 1.0)
    pre = jnp.dot(m, Wenc, preferred_element_type=jnp.float32)
    pre = pre + benc[None, :] * (d > 0).astype(jnp.float32)
    return jnp.where(pre > 0, pre, jnp.exp(pre) - 1.0)

  z1 = view(0)
  z2 = view(1)
  Wf1 = Wf1_ref[...]
  h = (jnp.dot(z1, Wf1[:D_H], preferred_element_type=jnp.float32)
       + jnp.dot(z2, Wf1[D_H:], preferred_element_type=jnp.float32)
       + bf1_ref[...][None, :])
  h = jnp.maximum(h, 0.0)
  zp = jnp.dot(h, Wf2_ref[...], preferred_element_type=jnp.float32)
  zp = zp + bf2_ref[...][None, :]
  xr = jnp.dot(zp, Wdec_ref[...], preferred_element_type=jnp.float32)
  xr = xr + bdec_ref[...][None, :]
  xrec_ref[...] = xr
  zpre_ref[...] = zp


def _dense(sums, degs, W_enc, b_enc, W_f1, b_f1, W_f2, b_f2, W_dec, b_dec):
  grid = (N // BN,)
  full = lambda shape: pl.BlockSpec(shape, lambda i: (0,) * len(shape))
  return pl.pallas_call(
      _dense_body,
      grid=grid,
      in_specs=[
          pl.BlockSpec((NUM_CORES, BN, D_IN), lambda i: (0, i, 0)),
          pl.BlockSpec((NUM_CORES, BN, D_IN), lambda i: (0, i, 0)),
          full((D_IN, D_H)),
          full((D_H,)),
          full((2 * D_H, 128)),
          full((128,)),
          full((128, D_Z)),
          full((D_Z,)),
          full((D_Z, D_IN)),
          full((D_IN,)),
      ],
      out_specs=[
          pl.BlockSpec((BN, D_IN), lambda i: (i, 0)),
          pl.BlockSpec((BN, D_Z), lambda i: (i, 0)),
      ],
      out_shape=[
          jax.ShapeDtypeStruct((N, D_IN), jnp.float32),
          jax.ShapeDtypeStruct((N, D_Z), jnp.float32),
      ],
  )(sums, degs, W_enc, b_enc, W_f1, b_f1, W_f2, b_f2, W_dec, b_dec)


def kernel(data, adj1, adj2, W_enc, b_enc, W_f1, b_f1, W_f2, b_f2, W_dec, b_dec):
  srcs = jnp.concatenate([adj1[0], adj2[0]])
  dsts = jnp.concatenate([adj1[1], adj2[1]])
  zrow = jnp.zeros((FLUSH_B, D_IN), jnp.float32)
  ones = jnp.ones((CHUNK, D_IN), jnp.float32)
  sums, degs = _sc_aggregate(data, srcs, dsts, zrow, ones)
  x_rec, z_pretrain = _dense(sums, degs, W_enc, b_enc, W_f1, b_f1,
                             W_f2, b_f2, W_dec, b_dec)
  return (x_rec, z_pretrain)

# --- scband reference (transcript-rebuilt; emitter-appended) ---
"""Pipeline reference for scband-ccgcn-two-stage-70884140253833 (READ-ONLY COPY).

The authoritative reference and input builder live on the scoring server;
editing this copy changes nothing except your own understanding.
"""

import jax, jax.numpy as jnp
import numpy as np

N = 10000
E = 320000
D_IN = 128
D_H = 256
D_Z = 64


def setup_inputs(seed: int = 0) -> dict:
    key = jax.random.key(seed)
    ks = jax.random.split(key, 12)
    data = jax.random.normal(ks[0], (N, D_IN), dtype=jnp.float32)
    adj1 = jax.random.randint(ks[1], (2, E), 0, N, dtype=jnp.int32)
    adj2 = jax.random.randint(ks[2], (2, E), 0, N, dtype=jnp.int32)
    s = 0.02
    W_enc = s * jax.random.normal(ks[3], (D_IN, D_H), dtype=jnp.float32)
    b_enc = jnp.zeros((D_H,), dtype=jnp.float32)
    W_f1 = s * jax.random.normal(ks[4], (2 * D_H, 128), dtype=jnp.float32)
    b_f1 = jnp.zeros((128,), dtype=jnp.float32)
    W_f2 = s * jax.random.normal(ks[5], (128, D_Z), dtype=jnp.float32)
    b_f2 = jnp.zeros((D_Z,), dtype=jnp.float32)
    W_dec = s * jax.random.normal(ks[6], (D_Z, D_IN), dtype=jnp.float32)
    b_dec = jnp.zeros((D_IN,), dtype=jnp.float32)
    return {"data": data, "adj1": adj1, "adj2": adj2,
            "W_enc": W_enc, "b_enc": b_enc,
            "W_f1": W_f1, "b_f1": b_f1,
            "W_f2": W_f2, "b_f2": b_f2,
            "W_dec": W_dec, "b_dec": b_dec}


def reference(data, adj1, adj2, W_enc, b_enc, W_f1, b_f1, W_f2, b_f2, W_dec, b_dec):
    # Shared GCN encoder applied to both view graphs (pretrain stage,
    # dropout / graph corruption are inference-disabled -> deterministic).
    def gcn(x, edge_index):
        src = edge_index[0]
        dst = edge_index[1]
        xw = x @ W_enc + b_enc                       # [N, D_H]
        msgs = jnp.take(xw, src, axis=0)             # gather  [E, D_H]
        agg = jax.ops.segment_sum(msgs, dst, num_segments=N)  # scatter-add
        deg = jax.ops.segment_sum(jnp.ones((edge_index.shape[1],), dtype=x.dtype), dst, num_segments=N)
        agg = agg / jnp.maximum(deg, 1.0)[:, None]   # mean aggregation (normalized adj)
        return jax.nn.elu(agg)

    z1 = gcn(data, adj1)                             # spatial view
    z2 = gcn(data, adj2)                             # expression view
    z_concat = jnp.concatenate([z1, z2], axis=1)     # [N, 2*D_H]
    h = jax.nn.relu(z_concat @ W_f1 + b_f1)          # feature_fusion layer 1
    z_pretrain = h @ W_f2 + b_f2                     # feature_fusion layer 2 -> [N, D_Z]
    x_rec = z_pretrain @ W_dec + b_dec               # SimpleDecoder -> [N, D_IN]
    return (x_rec, z_pretrain)

if __name__ == "__main__":
    import jax
    _d = setup_inputs()
    print(jax.jit(kernel)(*tuple(_d.values())))

</pallas_src>

<mosaic_0001>
#map = affine_map<(d0, d1) -> (0, 0)>
#map1 = affine_map<(d0, d1) -> (0)>
#map2 = affine_map<(d0, d1) -> (0, 0, 0)>
module attributes {stable_mosaic.version = 14 : i64} {
  func.func @k(%arg0: i32, %arg1: i32, %arg2: memref<10000x128xf32, #tpu.memory_space<hbm>>, %arg3: memref<640000xi32, #tpu.memory_space<hbm>>, %arg4: memref<640000xi32, #tpu.memory_space<hbm>>, %arg5: memref<128x128xf32, #tpu.memory_space<hbm>>, %arg6: memref<128x128xf32, #tpu.memory_space<hbm>>, %arg7: memref<2x10240x128xf32, #tpu.memory_space<hbm>>, %arg8: memref<2x10240x128xf32, #tpu.memory_space<hbm>>, %arg9: memref<10240x128xf32, #tpu.memory_space<vmem_shared>>, %arg10: memref<128xi32, #tpu.memory_space<vmem>>, %arg11: memref<128xi32, #tpu.memory_space<vmem>>, %arg12: memref<128xi32, #tpu.memory_space<vmem>>, %arg13: memref<128xi32, #tpu.memory_space<vmem>>, %arg14: memref<32xi32, #tpu.memory_space<vmem>>, %arg15: memref<128xi32, #tpu.memory_space<vmem>>, %arg16: memref<128xi32, #tpu.memory_space<vmem>>, %arg17: memref<32xi32, #tpu.memory_space<vmem>>, %arg18: memref<128x128xf32, #tpu.memory_space<vmem>>, %arg19: memref<128x128xf32, #tpu.memory_space<vmem>>, %arg20: memref<32x128xf32, #tpu.memory_space<vmem>>, %arg21: memref<!tpu.dma_semaphore, #tpu.memory_space<semaphore_mem>>, %arg22: memref<!tpu.dma_semaphore, #tpu.memory_space<semaphore_mem>>, %arg23: memref<!tpu.dma_semaphore, #tpu.memory_space<semaphore_mem>>, %arg24: memref<!tpu.dma_semaphore, #tpu.memory_space<semaphore_mem>>) attributes {dimension_semantics = [#tpu.dimension_semantics<core_parallel>, #tpu.dimension_semantics<subcore_parallel>], iteration_bounds = array<i64: 2, 16>, scalar_prefetch = 0 : i64, scratch_operands = 16 : i64, tpu.core_type = #tpu.core_type<sc_vector_subcore>, window_params = [{transform_indices = #map}, {transform_indices = #map1}, {transform_indices = #map1}, {transform_indices = #map}, {transform_indices = #map}, {transform_indices = #map2}, {transform_indices = #map2}]} {
    %mul3A = arith.constant 640 : i32
    %mul3A_0 = arith.muli %arg1, %mul3A : i32
    %mul3A_1 = arith.constant 320000 : i32
    %mul3A_2 = arith.muli %arg0, %mul3A_1 : i32
    %mul3A_3 = arith.constant 20000 : i32
    %mul3A_4 = arith.muli %arg1, %mul3A_3 : i32
    %add3A = arith.addi %mul3A_2, %mul3A_4 : i32
    %add3A_5 = arith.constant 19968 : i32
    %add3A_6 = arith.addi %add3A, %add3A_5 : i32
    %multiple_of3A = tpu.assume_multiple %add3A_6, 8 : i32
    "tpu.region"() ({
      %run_scoped3A = tpu.sem_alloc : memref<!tpu.dma_semaphore, #tpu.memory_space<semaphore_mem>>
      tpu.enqueue_dma source(%arg5 : memref<128x128xf32, #tpu.memory_space<hbm>>) target(%arg18 : memref<128x128xf32, #tpu.memory_space<vmem>>) target_semaphore(%run_scoped3A : memref<!tpu.dma_semaphore, #tpu.memory_space<semaphore_mem>>)
      tpu.wait_dma2 semaphore(%run_scoped3A : memref<!tpu.dma_semaphore, #tpu.memory_space<semaphore_mem>>) src(%arg5 : memref<128x128xf32, #tpu.memory_space<hbm>>) dst(%arg18 : memref<128x128xf32, #tpu.memory_space<vmem>>)
      tpu.yield
    }) : () -> ()
    %add3A_7 = arith.constant 0 : i32
    %add3A_8 = arith.addi %mul3A_0, %add3A_7 : i32
    "tpu.region"() ({
      %run_scoped3A = tpu.sem_alloc : memref<!tpu.dma_semaphore, #tpu.memory_space<semaphore_mem>>
      %dma_start3A_91 = arith.constant 0 : i32
      %dma_start3A_92 = tpu.memref_slice %arg9[%add3A_8, %dma_start3A_91] : memref<10240x128xf32, #tpu.memory_space<vmem_shared>> -> memref<128x128xf32, #tpu.memory_space<vmem_shared>>
      %dma_start3A_93 = arith.constant 0 : i32
      %dma_start3A_94 = tpu.memref_slice %arg9[%add3A_8, %dma_start3A_93] : memref<10240x128xf32, #tpu.memory_space<vmem_shared>> -> memref<128x128xf32, #tpu.memory_space<vmem_shared>>
      tpu.enqueue_dma source(%arg18 : memref<128x128xf32, #tpu.memory_space<vmem>>) target(%dma_start3A_94 : memref<128x128xf32, #tpu.memory_space<vmem_shared>>) target_semaphore(%run_scoped3A : memref<!tpu.dma_semaphore, #tpu.memory_space<semaphore_mem>>)
      %dma_wait3A_95 = arith.constant 0 : i32
      %dma_wait3A_96 = tpu.memref_slice %arg9[%add3A_8, %dma_wait3A_95] : memref<10240x128xf32, #tpu.memory_space<vmem_shared>> -> memref<128x128xf32, #tpu.memory_space<vmem_shared>>
      %dma_wait3A_97 = arith.constant 0 : i32
      %dma_wait3A_98 = tpu.memref_slice %arg9[%add3A_8, %dma_wait3A_97] : memref<10240x128xf32, #tpu.memory_space<vmem_shared>> -> memref<128x128xf32, #tpu.memory_space<vmem_shared>>
      tpu.wait_dma2 semaphore(%run_scoped3A : memref<!tpu.dma_semaphore, #tpu.memory_space<semaphore_mem>>) src(%arg18 : memref<128x128xf32, #tpu.memory_space<vmem>>) dst(%dma_wait3A_98 : memref<128x128xf32, #tpu.memory_space<vmem_shared>>)
      tpu.yield
    }) : () -> ()
    %add3A_9 = arith.constant 128 : i32
    %add3A_10 = arith.addi %mul3A_0, %add3A_9 : i32
    "tpu.region"() ({
      %run_scoped3A = tpu.sem_alloc : memref<!tpu.dma_semaphore, #tpu.memory_space<semaphore_mem>>
      %dma_start3A_91 = arith.constant 0 : i32
      %dma_start3A_92 = tpu.memref_slice %arg9[%add3A_10, %dma_start3A_91] : memref<10240x128xf32, #tpu.memory_space<vmem_shared>> -> memref<128x128xf32, #tpu.memory_space<vmem_shared>>
      %dma_start3A_93 = arith.constant 0 : i32
      %dma_start3A_94 = tpu.memref_slice %arg9[%add3A_10, %dma_start3A_93] : memref<10240x128xf32, #tpu.memory_space<vmem_shared>> -> memref<128x128xf32, #tpu.memory_space<vmem_shared>>
      tpu.enqueue_dma source(%arg18 : memref<128x128xf32, #tpu.memory_space<vmem>>) target(%dma_start3A_94 : memref<128x128xf32, #tpu.memory_space<vmem_shared>>) target_semaphore(%run_scoped3A : memref<!tpu.dma_semaphore, #tpu.memory_space<semaphore_mem>>)
      %dma_wait3A_95 = arith.constant 0 : i32
      %dma_wait3A_96 = tpu.memref_slice %arg9[%add3A_10, %dma_wait3A_95] : memref<10240x128xf32, #tpu.memory_space<vmem_shared>> -> memref<128x128xf32, #tpu.memory_space<vmem_shared>>
      %dma_wait3A_97 = arith.constant 0 : i32
      %dma_wait3A_98 = tpu.memref_slice %arg9[%add3A_10, %dma_wait3A_97] : memref<10240x128xf32, #tpu.memory_space<vmem_shared>> -> memref<128x128xf32, #tpu.memory_space<vmem_shared>>
      tpu.wait_dma2 semaphore(%run_scoped3A : memref<!tpu.dma_semaphore, #tpu.memory_space<semaphore_mem>>) src(%arg18 : memref<128x128xf32, #tpu.memory_space<vmem>>) dst(%dma_wait3A_98 : memref<128x128xf32, #tpu.memory_space<vmem_shared>>)
      tpu.yield
    }) : () -> ()
    %add3A_11 = arith.constant 256 : i32
    %add3A_12 = arith.addi %mul3A_0, %add3A_11 : i32
    "tpu.region"() ({
      %run_scoped3A = tpu.sem_alloc : memref<!tpu.dma_semaphore, #tpu.memory_space<semaphore_mem>>
      %dma_start3A_91 = arith.constant 0 : i32
      %dma_start3A_92 = tpu.memref_slice %arg9[%add3A_12, %dma_start3A_91] : memref<10240x128xf32, #tpu.memory_space<vmem_shared>> -> memref<128x128xf32, #tpu.memory_space<vmem_shared>>
      %dma_start3A_93 = arith.constant 0 : i32
      %dma_start3A_94 = tpu.memref_slice %arg9[%add3A_12, %dma_start3A_93] : memref<10240x128xf32, #tpu.memory_space<vmem_shared>> -> memref<128x128xf32, #tpu.memory_space<vmem_shared>>
      tpu.enqueue_dma source(%arg18 : memref<128x128xf32, #tpu.memory_space<vmem>>) target(%dma_start3A_94 : memref<128x128xf32, #tpu.memory_space<vmem_shared>>) target_semaphore(%run_scoped3A : memref<!tpu.dma_semaphore, #tpu.memory_space<semaphore_mem>>)
      %dma_wait3A_95 = arith.constant 0 : i32
      %dma_wait3A_96 = tpu.memref_slice %arg9[%add3A_12, %dma_wait3A_95] : memref<10240x128xf32, #tpu.memory_space<vmem_shared>> -> memref<128x128xf32, #tpu.memory_space<vmem_shared>>
      %dma_wait3A_97 = arith.constant 0 : i32
      %dma_wait3A_98 = tpu.memref_slice %arg9[%add3A_12, %dma_wait3A_97] : memref<10240x128xf32, #tpu.memory_space<vmem_shared>> -> memref<128x128xf32, #tpu.memory_space<vmem_shared>>
      tpu.wait_dma2 semaphore(%run_scoped3A : memref<!tpu.dma_semaphore, #tpu.memory_space<semaphore_mem>>) src(%arg18 : memref<128x128xf32, #tpu.memory_space<vmem>>) dst(%dma_wait3A_98 : memref<128x128xf32, #tpu.memory_space<vmem_shared>>)
      tpu.yield
    }) : () -> ()
    %add3A_13 = arith.constant 384 : i32
    %add3A_14 = arith.addi %mul3A_0, %add3A_13 : i32
    "tpu.region"() ({
      %run_scoped3A = tpu.sem_alloc : memref<!tpu.dma_semaphore, #tpu.memory_space<semaphore_mem>>
      %dma_start3A_91 = arith.constant 0 : i32
      %dma_start3A_92 = tpu.memref_slice %arg9[%add3A_14, %dma_start3A_91] : memref<10240x128xf32, #tpu.memory_space<vmem_shared>> -> memref<128x128xf32, #tpu.memory_space<vmem_shared>>
      %dma_start3A_93 = arith.constant 0 : i32
      %dma_start3A_94 = tpu.memref_slice %arg9[%add3A_14, %dma_start3A_93] : memref<10240x128xf32, #tpu.memory_space<vmem_shared>> -> memref<128x128xf32, #tpu.memory_space<vmem_shared>>
      tpu.enqueue_dma source(%arg18 : memref<128x128xf32, #tpu.memory_space<vmem>>) target(%dma_start3A_94 : memref<128x128xf32, #tpu.memory_space<vmem_shared>>) target_semaphore(%run_scoped3A : memref<!tpu.dma_semaphore, #tpu.memory_space<semaphore_mem>>)
      %dma_wait3A_95 = arith.constant 0 : i32
      %dma_wait3A_96 = tpu.memref_slice %arg9[%add3A_14, %dma_wait3A_95] : memref<10240x128xf32, #tpu.memory_space<vmem_shared>> -> memref<128x128xf32, #tpu.memory_space<vmem_shared>>
      %dma_wait3A_97 = arith.constant 0 : i32
      %dma_wait3A_98 = tpu.memref_slice %arg9[%add3A_14, %dma_wait3A_97] : memref<10240x128xf32, #tpu.memory_space<vmem_shared>> -> memref<128x128xf32, #tpu.memory_space<vmem_shared>>
      tpu.wait_dma2 semaphore(%run_scoped3A : memref<!tpu.dma_semaphore, #tpu.memory_space<semaphore_mem>>) src(%arg18 : memref<128x128xf32, #tpu.memory_space<vmem>>) dst(%dma_wait3A_98 : memref<128x128xf32, #tpu.memory_space<vmem_shared>>)
      tpu.yield
    }) : () -> ()
    %add3A_15 = arith.constant 512 : i32
    %add3A_16 = arith.addi %mul3A_0, %add3A_15 : i32
    "tpu.region"() ({
      %run_scoped3A = tpu.sem_alloc : memref<!tpu.dma_semaphore, #tpu.memory_space<semaphore_mem>>
      %dma_start3A_91 = arith.constant 0 : i32
      %dma_start3A_92 = tpu.memref_slice %arg9[%add3A_16, %dma_start3A_91] : memref<10240x128xf32, #tpu.memory_space<vmem_shared>> -> memref<128x128xf32, #tpu.memory_space<vmem_shared>>
      %dma_start3A_93 = arith.constant 0 : i32
      %dma_start3A_94 = tpu.memref_slice %arg9[%add3A_16, %dma_start3A_93] : memref<10240x128xf32, #tpu.memory_space<vmem_shared>> -> memref<128x128xf32, #tpu.memory_space<vmem_shared>>
      tpu.enqueue_dma source(%arg18 : memref<128x128xf32, #tpu.memory_space<vmem>>) target(%dma_start3A_94 : memref<128x128xf32, #tpu.memory_space<vmem_shared>>) target_semaphore(%run_scoped3A : memref<!tpu.dma_semaphore, #tpu.memory_space<semaphore_mem>>)
      %dma_wait3A_95 = arith.constant 0 : i32
      %dma_wait3A_96 = tpu.memref_slice %arg9[%add3A_16, %dma_wait3A_95] : memref<10240x128xf32, #tpu.memory_space<vmem_shared>> -> memref<128x128xf32, #tpu.memory_space<vmem_shared>>
      %dma_wait3A_97 = arith.constant 0 : i32
      %dma_wait3A_98 = tpu.memref_slice %arg9[%add3A_16, %dma_wait3A_97] : memref<10240x128xf32, #tpu.memory_space<vmem_shared>> -> memref<128x128xf32, #tpu.memory_space<vmem_shared>>
      tpu.wait_dma2 semaphore(%run_scoped3A : memref<!tpu.dma_semaphore, #tpu.memory_space<semaphore_mem>>) src(%arg18 : memref<128x128xf32, #tpu.memory_space<vmem>>) dst(%dma_wait3A_98 : memref<128x128xf32, #tpu.memory_space<vmem_shared>>)
      tpu.yield
    }) : () -> ()
    %barrier3A = arith.constant 0 : index
    tpu.barrier barrier_id(%barrier3A)
    %add3A_17 = arith.constant 0 : i32
    %add3A_18 = arith.addi %add3A, %add3A_17 : i32
    %multiple_of3A_19 = tpu.assume_multiple %add3A_18, 8 : i32
    "tpu.region"() ({
      %run_scoped3A = tpu.sem_alloc : memref<!tpu.dma_semaphore, #tpu.memory_space<semaphore_mem>>
      %dma_start3A_91 = tpu.memref_slice %arg3[%multiple_of3A_19] : memref<640000xi32, #tpu.memory_space<hbm>> -> memref<128xi32, #tpu.memory_space<hbm>>
      %dma_start3A_92 = tpu.memref_slice %arg3[%multiple_of3A_19] : memref<640000xi32, #tpu.memory_space<hbm>> -> memref<128xi32, #tpu.memory_space<hbm>>
      tpu.enqueue_dma source(%dma_start3A_92 : memref<128xi32, #tpu.memory_space<hbm>>) target(%arg15 : memref<128xi32, #tpu.memory_space<vmem>>) target_semaphore(%run_scoped3A : memref<!tpu.dma_semaphore, #tpu.memory_space<semaphore_mem>>)
      %dma_wait3A_93 = tpu.memref_slice %arg3[%multiple_of3A_19] : memref<640000xi32, #tpu.memory_space<hbm>> -> memref<128xi32, #tpu.memory_space<hbm>>
      %dma_wait3A_94 = tpu.memref_slice %arg3[%multiple_of3A_19] : memref<640000xi32, #tpu.memory_space<hbm>> -> memref<128xi32, #tpu.memory_space<hbm>>
      tpu.wait_dma2 semaphore(%run_scoped3A : memref<!tpu.dma_semaphore, #tpu.memory_space<semaphore_mem>>) src(%dma_wait3A_94 : memref<128xi32, #tpu.memory_space<hbm>>) dst(%arg15 : memref<128xi32, #tpu.memory_space<vmem>>)
      tpu.yield
    }) : () -> ()
    %add3A_20 = arith.constant 0 : i32
    %add3A_21 = arith.addi %add3A, %add3A_20 : i32
    %multiple_of3A_22 = tpu.assume_multiple %add3A_21, 8 : i32
    "tpu.region"() ({
      %run_scoped3A = tpu.sem_alloc : memref<!tpu.dma_semaphore, #tpu.memory_space<semaphore_mem>>
      %dma_start3A_91 = tpu.memref_slice %arg4[%multiple_of3A_22] : memref<640000xi32, #tpu.memory_space<hbm>> -> memref<128xi32, #tpu.memory_space<hbm>>
      %dma_start3A_92 = tpu.memref_slice %arg4[%multiple_of3A_22] : memref<640000xi32, #tpu.memory_space<hbm>> -> memref<128xi32, #tpu.memory_space<hbm>>
      tpu.enqueue_dma source(%dma_start3A_92 : memref<128xi32, #tpu.memory_space<hbm>>) target(%arg10 : memref<128xi32, #tpu.memory_space<vmem>>) target_semaphore(%run_scoped3A : memref<!tpu.dma_semaphore, #tpu.memory_space<semaphore_mem>>)
      %dma_wait3A_93 = tpu.memref_slice %arg4[%multiple_of3A_22] : memref<640000xi32, #tpu.memory_space<hbm>> -> memref<128xi32, #tpu.memory_space<hbm>>
      %dma_wait3A_94 = tpu.memref_slice %arg4[%multiple_of3A_22] : memref<640000xi32, #tpu.memory_space<hbm>> -> memref<128xi32, #tpu.memory_space<hbm>>
      tpu.wait_dma2 semaphore(%run_scoped3A : memref<!tpu.dma_semaphore, #tpu.memory_space<semaphore_mem>>) src(%dma_wait3A_94 : memref<128xi32, #tpu.memory_space<hbm>>) dst(%arg10 : memref<128xi32, #tpu.memory_space<vmem>>)
      tpu.yield
    }) : () -> ()
    %dma_start3A = arith.constant 0 : i32
    %dma_start3A_23 = arith.constant 0 : i32
    %dma_start3A_24 = tpu.memref_slice %arg2[%dma_start3A, %dma_start3A_23] : memref<10000x128xf32, #tpu.memory_space<hbm>> -> memref<10000x128xf32, #tpu.memory_space<hbm>>
    tpu.enqueue_indirect_dma source(%dma_start3A_24 : memref<10000x128xf32, #tpu.memory_space<hbm>>) target(%arg18 : memref<128x128xf32, #tpu.memory_space<vmem>>) offsets(%arg15 : memref<128xi32, #tpu.memory_space<vmem>>) semaphore(%arg21 : memref<!tpu.dma_semaphore, #tpu.memory_space<semaphore_mem>>)
    %add3A_25 = arith.constant 128 : i32
    %add3A_26 = arith.addi %add3A, %add3A_25 : i32
    %multiple_of3A_27 = tpu.assume_multiple %add3A_26, 8 : i32
    "tpu.region"() ({
      %run_scoped3A = tpu.sem_alloc : memref<!tpu.dma_semaphore, #tpu.memory_space<semaphore_mem>>
      %dma_start3A_91 = tpu.memref_slice %arg3[%multiple_of3A_27] : memref<640000xi32, #tpu.memory_space<hbm>> -> memref<128xi32, #tpu.memory_space<hbm>>
      %dma_start3A_92 = tpu.memref_slice %arg3[%multiple_of3A_27] : memref<640000xi32, #tpu.memory_space<hbm>> -> memref<128xi32, #tpu.memory_space<hbm>>
      tpu.enqueue_dma source(%dma_start3A_92 : memref<128xi32, #tpu.memory_space<hbm>>) target(%arg16 : memref<128xi32, #tpu.memory_space<vmem>>) target_semaphore(%run_scoped3A : memref<!tpu.dma_semaphore, #tpu.memory_space<semaphore_mem>>)
      %dma_wait3A_93 = tpu.memref_slice %arg3[%multiple_of3A_27] : memref<640000xi32, #tpu.memory_space<hbm>> -> memref<128xi32, #tpu.memory_space<hbm>>
      %dma_wait3A_94 = tpu.memref_slice %arg3[%multiple_of3A_27] : memref<640000xi32, #tpu.memory_space<hbm>> -> memref<128xi32, #tpu.memory_space<hbm>>
      tpu.wait_dma2 semaphore(%run_scoped3A : memref<!tpu.dma_semaphore, #tpu.memory_space<semaphore_mem>>) src(%dma_wait3A_94 : memref<128xi32, #tpu.memory_space<hbm>>) dst(%arg16 : memref<128xi32, #tpu.memory_space<vmem>>)
      tpu.yield
    }) : () -> ()
    %add3A_28 = arith.constant 128 : i32
    %add3A_29 = arith.addi %add3A, %add3A_28 : i32
    %multiple_of3A_30 = tpu.assume_multiple %add3A_29, 8 : i32
    "tpu.region"() ({
      %run_scoped3A = tpu.sem_alloc : memref<!tpu.dma_semaphore, #tpu.memory_space<semaphore_mem>>
      %dma_start3A_91 = tpu.memref_slice %arg4[%multiple_of3A_30] : memref<640000xi32, #tpu.memory_space<hbm>> -> memref<128xi32, #tpu.memory_space<hbm>>
      %dma_start3A_92 = tpu.memref_slice %arg4[%multiple_of3A_30] : memref<640000xi32, #tpu.memory_space<hbm>> -> memref<128xi32, #tpu.memory_space<hbm>>
      tpu.enqueue_dma source(%dma_start3A_92 : memref<128xi32, #tpu.memory_space<hbm>>) target(%arg11 : memref<128xi32, #tpu.memory_space<vmem>>) target_semaphore(%run_scoped3A : memref<!tpu.dma_semaphore, #tpu.memory_space<semaphore_mem>>)
      %dma_wait3A_93 = tpu.memref_slice %arg4[%multiple_of3A_30] : memref<640000xi32, #tpu.memory_space<hbm>> -> memref<128xi32, #tpu.memory_space<hbm>>
      %dma_wait3A_94 = tpu.memref_slice %arg4[%multiple_of3A_30] : memref<640000xi32, #tpu.memory_space<hbm>> -> memref<128xi32, #tpu.memory_space<hbm>>
      tpu.wait_dma2 semaphore(%run_scoped3A : memref<!tpu.dma_semaphore, #tpu.memory_space<semaphore_mem>>) src(%dma_wait3A_94 : memref<128xi32, #tpu.memory_space<hbm>>) dst(%arg11 : memref<128xi32, #tpu.memory_space<vmem>>)
      tpu.yield
    }) : () -> ()
    %scan3A = arith.constant 0 : i32
    %scan3A_31 = arith.constant 78 : i32
    %scan3A_32 = arith.addi %scan3A, %scan3A_31 : i32
    %scan3A_33 = arith.constant 1 : i32
    scf.for %scan3A_91 = %scan3A to %scan3A_32 step %scan3A_33  : i32 {
      %mul3A_92 = arith.constant 1 : i32
      %mul3A_93 = arith.muli %scan3A_91, %mul3A_92 : i32
      %add3A_94 = arith.constant 0 : i32
      %add3A_95 = arith.addi %add3A_94, %mul3A_93 : i32
      %mul3A_96 = arith.constant 2 : i32
      %mul3A_97 = arith.muli %mul3A_96, %add3A_95 : i32
      %dma_start3A_98 = arith.constant 0 : i32
      %dma_start3A_99 = arith.constant 0 : i32
      %dma_start3A_100 = tpu.memref_slice %arg2[%dma_start3A_98, %dma_start3A_99] : memref<10000x128xf32, #tpu.memory_space<hbm>> -> memref<10000x128xf32, #tpu.memory_space<hbm>>
      tpu.enqueue_indirect_dma source(%dma_start3A_100 : memref<10000x128xf32, #tpu.memory_space<hbm>>) target(%arg19 : memref<128x128xf32, #tpu.memory_space<vmem>>) offsets(%arg16 : memref<128xi32, #tpu.memory_space<vmem>>) semaphore(%arg22 : memref<!tpu.dma_semaphore, #tpu.memory_space<semaphore_mem>>)
      %dma_wait3A_101 = arith.constant 0 : i32
      %dma_wait3A_102 = arith.constant 0 : i32
      %dma_wait3A_103 = tpu.memref_slice %arg2[%dma_wait3A_101, %dma_wait3A_102] : memref<10000x128xf32, #tpu.memory_space<hbm>> -> memref<10000x128xf32, #tpu.memory_space<hbm>>
      tpu.wait_indirect_dma semaphore(%arg21 : memref<!tpu.dma_semaphore, #tpu.memory_space<semaphore_mem>>) src(%dma_wait3A_103 : memref<10000x128xf32, #tpu.memory_space<hbm>>) dst(%arg18 : memref<128x128xf32, #tpu.memory_space<vmem>>)
      %dma_start3A_104 = arith.constant 0 : i32
      %dma_start3A_105 = arith.constant 0 : i32
      %dma_start3A_106 = tpu.memref_slice %arg9[%dma_start3A_104, %dma_start3A_105] : memref<10240x128xf32, #tpu.memory_space<vmem_shared>> -> memref<10240x128xf32, #tpu.memory_space<vmem_shared>>
      tpu.enqueue_indirect_dma source(%arg18 : memref<128x128xf32, #tpu.memory_space<vmem>>) target(%dma_start3A_106 : memref<10240x128xf32, #tpu.memory_space<vmem_shared>>) offsets(%arg10 : memref<128xi32, #tpu.memory_space<vmem>>) semaphore(%arg23 : memref<!tpu.dma_semaphore, #tpu.memory_space<semaphore_mem>>) {add = true}
      %dma_wait3A_107 = arith.constant 0 : i32
      %dma_wait3A_108 = arith.constant 0 : i32
      %dma_wait3A_109 = tpu.memref_slice %arg2[%dma_wait3A_107, %dma_wait3A_108] : memref<10000x128xf32, #tpu.memory_space<hbm>> -> memref<10000x128xf32, #tpu.memory_space<hbm>>
      tpu.wait_indirect_dma semaphore(%arg22 : memref<!tpu.dma_semaphore, #tpu.memory_space<semaphore_mem>>) src(%dma_wait3A_109 : memref<10000x128xf32, #tpu.memory_space<hbm>>) dst(%arg19 : memref<128x128xf32, #tpu.memory_space<vmem>>)
      %dma_start3A_110 = arith.constant 0 : i32
      %dma_start3A_111 = arith.constant 0 : i32
      %dma_start3A_112 = tpu.memref_slice %arg9[%dma_start3A_110, %dma_start3A_111] : memref<10240x128xf32, #tpu.memory_space<vmem_shared>> -> memref<10240x128xf32, #tpu.memory_space<vmem_shared>>
      tpu.enqueue_indirect_dma source(%arg19 : memref<128x128xf32, #tpu.memory_space<vmem>>) target(%dma_start3A_112 : memref<10240x128xf32, #tpu.memory_space<vmem_shared>>) offsets(%arg11 : memref<128xi32, #tpu.memory_space<vmem>>) semaphore(%arg24 : memref<!tpu.dma_semaphore, #tpu.memory_space<semaphore_mem>>) {add = true}
      %dma_wait3A_113 = arith.constant 0 : i32
      %dma_wait3A_114 = arith.constant 0 : i32
      %dma_wait3A_115 = tpu.memref_slice %arg9[%dma_wait3A_113, %dma_wait3A_114] : memref<10240x128xf32, #tpu.memory_space<vmem_shared>> -> memref<10240x128xf32, #tpu.memory_space<vmem_shared>>
      tpu.wait_indirect_dma semaphore(%arg23 : memref<!tpu.dma_semaphore, #tpu.memory_space<semaphore_mem>>) src(%arg18 : memref<128x128xf32, #tpu.memory_space<vmem>>) dst(%dma_wait3A_115 : memref<10240x128xf32, #tpu.memory_space<vmem_shared>>)
      %lt3A = arith.constant 77 : i32
      %lt3A_116 = arith.cmpi slt, %add3A_95, %lt3A : i32
      %convert_element_type3A = arith.extui %lt3A_116 : i1 to i32
      %cond3A = arith.constant 0 : i32
      %cond3A_117 = arith.cmpi ne, %convert_element_type3A, %cond3A : i32
      scf.if %cond3A_117 {
        %add3A_126 = arith.constant 2 : i32
        %add3A_127 = arith.addi %mul3A_97, %add3A_126 : i32
        %mul3A_128 = arith.constant 128 : i32
        %mul3A_129 = arith.muli %add3A_127, %mul3A_128 : i32
        %add3A_130 = arith.addi %add3A, %mul3A_129 : i32
        %multiple_of3A_131 = tpu.assume_multiple %add3A_130, 8 : i32
        "tpu.region"() ({
          %run_scoped3A = tpu.sem_alloc : memref<!tpu.dma_semaphore, #tpu.memory_space<semaphore_mem>>
          %dma_start3A_141 = tpu.memref_slice %arg3[%multiple_of3A_131] : memref<640000xi32, #tpu.memory_space<hbm>> -> memref<128xi32, #tpu.memory_space<hbm>>
          %dma_start3A_142 = tpu.memref_slice %arg3[%multiple_of3A_131] : memref<640000xi32, #tpu.memory_space<hbm>> -> memref<128xi32, #tpu.memory_space<hbm>>
          tpu.enqueue_dma source(%dma_start3A_142 : memref<128xi32, #tpu.memory_space<hbm>>) target(%arg15 : memref<128xi32, #tpu.memory_space<vmem>>) target_semaphore(%run_scoped3A : memref<!tpu.dma_semaphore, #tpu.memory_space<semaphore_mem>>)
          %dma_wait3A_143 = tpu.memref_slice %arg3[%multiple_of3A_131] : memref<640000xi32, #tpu.memory_space<hbm>> -> memref<128xi32, #tpu.memory_space<hbm>>
          %dma_wait3A_144 = tpu.memref_slice %arg3[%multiple_of3A_131] : memref<640000xi32, #tpu.memory_space<hbm>> -> memref<128xi32, #tpu.memory_space<hbm>>
          tpu.wait_dma2 semaphore(%run_scoped3A : memref<!tpu.dma_semaphore, #tpu.memory_space<semaphore_mem>>) src(%dma_wait3A_144 : memref<128xi32, #tpu.memory_space<hbm>>) dst(%arg15 : memref<128xi32, #tpu.memory_space<vmem>>)
          tpu.yield
        }) : () -> ()
        %add3A_132 = arith.constant 2 : i32
        %add3A_133 = arith.addi %mul3A_97, %add3A_132 : i32
        %mul3A_134 = arith.constant 128 : i32
        %mul3A_135 = arith.muli %add3A_133, %mul3A_134 : i32
        %add3A_136 = arith.addi %add3A, %mul3A_135 : i32
        %multiple_of3A_137 = tpu.assume_multiple %add3A_136, 8 : i32
        "tpu.region"() ({
          %run_scoped3A = tpu.sem_alloc : memref<!tpu.dma_semaphore, #tpu.memory_space<semaphore_mem>>
          %dma_start3A_141 = tpu.memref_slice %arg4[%multiple_of3A_137] : memref<640000xi32, #tpu.memory_space<hbm>> -> memref<128xi32, #tpu.memory_space<hbm>>
          %dma_start3A_142 = tpu.memref_slice %arg4[%multiple_of3A_137] : memref<640000xi32, #tpu.memory_space<hbm>> -> memref<128xi32, #tpu.memory_space<hbm>>
          tpu.enqueue_dma source(%dma_start3A_142 : memref<128xi32, #tpu.memory_space<hbm>>) target(%arg10 : memref<128xi32, #tpu.memory_space<vmem>>) target_semaphore(%run_scoped3A : memref<!tpu.dma_semaphore, #tpu.memory_space<semaphore_mem>>)
          %dma_wait3A_143 = tpu.memref_slice %arg4[%multiple_of3A_137] : memref<640000xi32, #tpu.memory_space<hbm>> -> memref<128xi32, #tpu.memory_space<hbm>>
          %dma_wait3A_144 = tpu.memref_slice %arg4[%multiple_of3A_137] : memref<640000xi32, #tpu.memory_space<hbm>> -> memref<128xi32, #tpu.memory_space<hbm>>
          tpu.wait_dma2 semaphore(%run_scoped3A : memref<!tpu.dma_semaphore, #tpu.memory_space<semaphore_mem>>) src(%dma_wait3A_144 : memref<128xi32, #tpu.memory_space<hbm>>) dst(%arg10 : memref<128xi32, #tpu.memory_space<vmem>>)
          tpu.yield
        }) : () -> ()
        %dma_start3A_138 = arith.constant 0 : i32
        %dma_start3A_139 = arith.constant 0 : i32
        %dma_start3A_140 = tpu.memref_slice %arg2[%dma_start3A_138, %dma_start3A_139] : memref<10000x128xf32, #tpu.memory_space<hbm>> -> memref<10000x128xf32, #tpu.memory_space<hbm>>
        tpu.enqueue_indirect_dma source(%dma_start3A_140 : memref<10000x128xf32, #tpu.memory_space<hbm>>) target(%arg18 : memref<128x128xf32, #tpu.memory_space<vmem>>) offsets(%arg15 : memref<128xi32, #tpu.memory_space<vmem>>) semaphore(%arg21 : memref<!tpu.dma_semaphore, #tpu.memory_space<semaphore_mem>>)
      } else {
      }
      %dma_wait3A_118 = arith.constant 0 : i32
      %dma_wait3A_119 = arith.constant 0 : i32
      %dma_wait3A_120 = tpu.memref_slice %arg9[%dma_wait3A_118, %dma_wait3A_119] : memref<10240x128xf32, #tpu.memory_space<vmem_shared>> -> memref<10240x128xf32, #tpu.memory_space<vmem_shared>>
      tpu.wait_indirect_dma semaphore(%arg24 : memref<!tpu.dma_semaphore, #tpu.memory_space<semaphore_mem>>) src(%arg19 : memref<128x128xf32, #tpu.memory_space<vmem>>) dst(%dma_wait3A_120 : memref<10240x128xf32, #tpu.memory_space<vmem_shared>>)
      %lt3A_121 = arith.constant 77 : i32
      %lt3A_122 = arith.cmpi slt, %add3A_95, %lt3A_121 : i32
      %convert_element_type3A_123 = arith.extui %lt3A_122 : i1 to i32
      %cond3A_124 = arith.constant 0 : i32
      %cond3A_125 = arith.cmpi ne, %convert_element_type3A_123, %cond3A_124 : i32
      scf.if %cond3A_125 {
        %add3A_126 = arith.constant 3 : i32
        %add3A_127 = arith.addi %mul3A_97, %add3A_126 : i32
        %mul3A_128 = arith.constant 128 : i32
        %mul3A_129 = arith.muli %add3A_127, %mul3A_128 : i32
        %add3A_130 = arith.addi %add3A, %mul3A_129 : i32
        %multiple_of3A_131 = tpu.assume_multiple %add3A_130, 8 : i32
        "tpu.region"() ({
          %run_scoped3A = tpu.sem_alloc : memref<!tpu.dma_semaphore, #tpu.memory_space<semaphore_mem>>
          %dma_start3A_138 = tpu.memref_slice %arg3[%multiple_of3A_131] : memref<640000xi32, #tpu.memory_space<hbm>> -> memref<128xi32, #tpu.memory_space<hbm>>
          %dma_start3A_139 = tpu.memref_slice %arg3[%multiple_of3A_131] : memref<640000xi32, #tpu.memory_space<hbm>> -> memref<128xi32, #tpu.memory_space<hbm>>
          tpu.enqueue_dma source(%dma_start3A_139 : memref<128xi32, #tpu.memory_space<hbm>>) target(%arg16 : memref<128xi32, #tpu.memory_space<vmem>>) target_semaphore(%run_scoped3A : memref<!tpu.dma_semaphore, #tpu.memory_space<semaphore_mem>>)
          %dma_wait3A_140 = tpu.memref_slice %arg3[%multiple_of3A_131] : memref<640000xi32, #tpu.memory_space<hbm>> -> memref<128xi32, #tpu.memory_space<hbm>>
          %dma_wait3A_141 = tpu.memref_slice %arg3[%multiple_of3A_131] : memref<640000xi32, #tpu.memory_space<hbm>> -> memref<128xi32, #tpu.memory_space<hbm>>
          tpu.wait_dma2 semaphore(%run_scoped3A : memref<!tpu.dma_semaphore, #tpu.memory_space<semaphore_mem>>) src(%dma_wait3A_141 : memref<128xi32, #tpu.memory_space<hbm>>) dst(%arg16 : memref<128xi32, #tpu.memory_space<vmem>>)
          tpu.yield
        }) : () -> ()
        %add3A_132 = arith.constant 3 : i32
        %add3A_133 = arith.addi %mul3A_97, %add3A_132 : i32
        %mul3A_134 = arith.constant 128 : i32
        %mul3A_135 = arith.muli %add3A_133, %mul3A_134 : i32
        %add3A_136 = arith.addi %add3A, %mul3A_135 : i32
        %multiple_of3A_137 = tpu.assume_multiple %add3A_136, 8 : i32
        "tpu.region"() ({
          %run_scoped3A = tpu.sem_alloc : memref<!tpu.dma_semaphore, #tpu.memory_space<semaphore_mem>>
          %dma_start3A_138 = tpu.memref_slice %arg4[%multiple_of3A_137] : memref<640000xi32, #tpu.memory_space<hbm>> -> memref<128xi32, #tpu.memory_space<hbm>>
          %dma_start3A_139 = tpu.memref_slice %arg4[%multiple_of3A_137] : memref<640000xi32, #tpu.memory_space<hbm>> -> memref<128xi32, #tpu.memory_space<hbm>>
          tpu.enqueue_dma source(%dma_start3A_139 : memref<128xi32, #tpu.memory_space<hbm>>) target(%arg11 : memref<128xi32, #tpu.memory_space<vmem>>) target_semaphore(%run_scoped3A : memref<!tpu.dma_semaphore, #tpu.memory_space<semaphore_mem>>)
          %dma_wait3A_140 = tpu.memref_slice %arg4[%multiple_of3A_137] : memref<640000xi32, #tpu.memory_space<hbm>> -> memref<128xi32, #tpu.memory_space<hbm>>
          %dma_wait3A_141 = tpu.memref_slice %arg4[%multiple_of3A_137] : memref<640000xi32, #tpu.memory_space<hbm>> -> memref<128xi32, #tpu.memory_space<hbm>>
          tpu.wait_dma2 semaphore(%run_scoped3A : memref<!tpu.dma_semaphore, #tpu.memory_space<semaphore_mem>>) src(%dma_wait3A_141 : memref<128xi32, #tpu.memory_space<hbm>>) dst(%arg11 : memref<128xi32, #tpu.memory_space<vmem>>)
          tpu.yield
        }) : () -> ()
      } else {
      }
    }
    %scan3A_34 = arith.constant 78 : i32
    "tpu.region"() ({
      %run_scoped3A = tpu.sem_alloc : memref<!tpu.dma_semaphore, #tpu.memory_space<semaphore_mem>>
      %dma_start3A_91 = tpu.memref_slice %arg3[%multiple_of3A] : memref<640000xi32, #tpu.memory_space<hbm>> -> memref<32xi32, #tpu.memory_space<hbm>>
      %dma_start3A_92 = tpu.memref_slice %arg3[%multiple_of3A] : memref<640000xi32, #tpu.memory_space<hbm>> -> memref<32xi32, #tpu.memory_space<hbm>>
      tpu.enqueue_dma source(%dma_start3A_92 : memref<32xi32, #tpu.memory_space<hbm>>) target(%arg17 : memref<32xi32, #tpu.memory_space<vmem>>) target_semaphore(%run_scoped3A : memref<!tpu.dma_semaphore, #tpu.memory_space<semaphore_mem>>)
      %dma_wait3A_93 = tpu.memref_slice %arg3[%multiple_of3A] : memref<640000xi32, #tpu.memory_space<hbm>> -> memref<32xi32, #tpu.memory_space<hbm>>
      %dma_wait3A_94 = tpu.memref_slice %arg3[%multiple_of3A] : memref<640000xi32, #tpu.memory_space<hbm>> -> memref<32xi32, #tpu.memory_space<hbm>>
      tpu.wait_dma2 semaphore(%run_scoped3A : memref<!tpu.dma_semaphore, #tpu.memory_space<semaphore_mem>>) src(%dma_wait3A_94 : memref<32xi32, #tpu.memory_space<hbm>>) dst(%arg17 : memref<32xi32, #tpu.memory_space<vmem>>)
      tpu.yield
    }) : () -> ()
    "tpu.region"() ({
      %run_scoped3A = tpu.sem_alloc : memref<!tpu.dma_semaphore, #tpu.memory_space<semaphore_mem>>
      %dma_start3A_91 = tpu.memref_slice %arg4[%multiple_of3A] : memref<640000xi32, #tpu.memory_space<hbm>> -> memref<32xi32, #tpu.memory_space<hbm>>
      %dma_start3A_92 = tpu.memref_slice %arg4[%multiple_of3A] : memref<640000xi32, #tpu.memory_space<hbm>> -> memref<32xi32, #tpu.memory_space<hbm>>
      tpu.enqueue_dma source(%dma_start3A_92 : memref<32xi32, #tpu.memory_space<hbm>>) target(%arg14 : memref<32xi32, #tpu.memory_space<vmem>>) target_semaphore(%run_scoped3A : memref<!tpu.dma_semaphore, #tpu.memory_space<semaphore_mem>>)
      %dma_wait3A_93 = tpu.memref_slice %arg4[%multiple_of3A] : memref<640000xi32, #tpu.memory_space<hbm>> -> memref<32xi32, #tpu.memory_space<hbm>>
      %dma_wait3A_94 = tpu.memref_slice %arg4[%multiple_of3A] : memref<640000xi32, #tpu.memory_space<hbm>> -> memref<32xi32, #tpu.memory_space<hbm>>
      tpu.wait_dma2 semaphore(%run_scoped3A : memref<!tpu.dma_semaphore, #tpu.memory_space<semaphore_mem>>) src(%dma_wait3A_94 : memref<32xi32, #tpu.memory_space<hbm>>) dst(%arg14 : memref<32xi32, #tpu.memory_space<vmem>>)
      tpu.yield
    }) : () -> ()
    %dma_start3A_35 = arith.constant 0 : i32
    %dma_start3A_36 = arith.constant 0 : i32
    %dma_start3A_37 = tpu.memref_slice %arg2[%dma_start3A_35, %dma_start3A_36] : memref<10000x128xf32, #tpu.memory_space<hbm>> -> memref<10000x128xf32, #tpu.memory_space<hbm>>
    tpu.enqueue_indirect_dma source(%dma_start3A_37 : memref<10000x128xf32, #tpu.memory_space<hbm>>) target(%arg20 : memref<32x128xf32, #tpu.memory_space<vmem>>) offsets(%arg17 : memref<32xi32, #tpu.memory_space<vmem>>) semaphore(%arg21 : memref<!tpu.dma_semaphore, #tpu.memory_space<semaphore_mem>>)
    %dma_wait3A = arith.constant 0 : i32
    %dma_wait3A_38 = arith.constant 0 : i32
    %dma_wait3A_39 = tpu.memref_slice %arg2[%dma_wait3A, %dma_wait3A_38] : memref<10000x128xf32, #tpu.memory_space<hbm>> -> memref<10000x128xf32, #tpu.memory_space<hbm>>
    tpu.wait_indirect_dma semaphore(%arg21 : memref<!tpu.dma_semaphore, #tpu.memory_space<semaphore_mem>>) src(%dma_wait3A_39 : memref<10000x128xf32, #tpu.memory_space<hbm>>) dst(%arg20 : memref<32x128xf32, #tpu.memory_space<vmem>>)
    "tpu.region"() ({
      %run_scoped3A = tpu.sem_alloc : memref<!tpu.dma_semaphore, #tpu.memory_space<semaphore_mem>>
      %dma_start3A_91 = arith.constant 0 : i32
      %dma_start3A_92 = arith.constant 0 : i32
      %dma_start3A_93 = tpu.memref_slice %arg9[%dma_start3A_91, %dma_start3A_92] : memref<10240x128xf32, #tpu.memory_space<vmem_shared>> -> memref<10240x128xf32, #tpu.memory_space<vmem_shared>>
      tpu.enqueue_indirect_dma source(%arg20 : memref<32x128xf32, #tpu.memory_space<vmem>>) target(%dma_start3A_93 : memref<10240x128xf32, #tpu.memory_space<vmem_shared>>) offsets(%arg14 : memref<32xi32, #tpu.memory_space<vmem>>) semaphore(%run_scoped3A : memref<!tpu.dma_semaphore, #tpu.memory_space<semaphore_mem>>) {add = true}
      %dma_wait3A_94 = arith.constant 0 : i32
      %dma_wait3A_95 = arith.constant 0 : i32
      %dma_wait3A_96 = tpu.memref_slice %arg9[%dma_wait3A_94, %dma_wait3A_95] : memref<10240x128xf32, #tpu.memory_space<vmem_shared>> -> memref<10240x128xf32, #tpu.memory_space<vmem_shared>>
      tpu.wait_indirect_dma semaphore(%run_scoped3A : memref<!tpu.dma_semaphore, #tpu.memory_space<semaphore_mem>>) src(%arg20 : memref<32x128xf32, #tpu.memory_space<vmem>>) dst(%dma_wait3A_96 : memref<10240x128xf32, #tpu.memory_space<vmem_shared>>)
      tpu.yield
    }) : () -> ()
    %barrier3A_40 = arith.constant 0 : index
    tpu.barrier barrier_id(%barrier3A_40)
    %add3A_41 = arith.constant 0 : i32
    %add3A_42 = arith.addi %mul3A_0, %add3A_41 : i32
    "tpu.region"() ({
      %run_scoped3A = tpu.sem_alloc : memref<!tpu.dma_semaphore, #tpu.memory_space<semaphore_mem>>
      %dma_start3A_91 = arith.constant 0 : i32
      %dma_start3A_92 = tpu.memref_slice %arg9[%add3A_42, %dma_start3A_91] : memref<10240x128xf32, #tpu.memory_space<vmem_shared>> -> memref<128x128xf32, #tpu.memory_space<vmem_shared>>
      %dma_start3A_93 = arith.constant 0 : i32
      %dma_start3A_94 = tpu.memref_slice %arg9[%add3A_42, %dma_start3A_93] : memref<10240x128xf32, #tpu.memory_space<vmem_shared>> -> memref<128x128xf32, #tpu.memory_space<vmem_shared>>
      tpu.enqueue_dma source(%dma_start3A_94 : memref<128x128xf32, #tpu.memory_space<vmem_shared>>) target(%arg18 : memref<128x128xf32, #tpu.memory_space<vmem>>) target_semaphore(%run_scoped3A : memref<!tpu.dma_semaphore, #tpu.memory_space<semaphore_mem>>)
      %dma_wait3A_95 = arith.constant 0 : i32
      %dma_wait3A_96 = tpu.memref_slice %arg9[%add3A_42, %dma_wait3A_95] : memref<10240x128xf32, #tpu.memory_space<vmem_shared>> -> memref<128x128xf32, #tpu.memory_space<vmem_shared>>
      %dma_wait3A_97 = arith.constant 0 : i32
      %dma_wait3A_98 = tpu.memref_slice %arg9[%add3A_42, %dma_wait3A_97] : memref<10240x128xf32, #tpu.memory_space<vmem_shared>> -> memref<128x128xf32, #tpu.memory_space<vmem_shared>>
      tpu.wait_dma2 semaphore(%run_scoped3A : memref<!tpu.dma_semaphore, #tpu.memory_space<semaphore_mem>>) src(%dma_wait3A_98 : memref<128x128xf32, #tpu.memory_space<vmem_shared>>) dst(%arg18 : memref<128x128xf32, #tpu.memory_space<vmem>>)
      tpu.yield
    }) : () -> ()
    "tpu.region"() ({
      %run_scoped3A = tpu.sem_alloc : memref<!tpu.dma_semaphore, #tpu.memory_space<semaphore_mem>>
      %dma_start3A_91 = arith.constant 0 : i32
      %dma_start3A_92 = tpu.memref_slice %arg7[%arg0, %add3A_42, %dma_start3A_91] : memref<2x10240x128xf32, #tpu.memory_space<hbm>> -> memref<1x128x128xf32, #tpu.memory_space<hbm>>
      %dma_start3A_93 = tpu.memref_squeeze %dma_start3A_92 : memref<1x128x128xf32, #tpu.memory_space<hbm>> -> memref<128x128xf32, #tpu.memory_space<hbm>>
      %dma_start3A_94 = arith.constant 0 : i32
      %dma_start3A_95 = tpu.memref_slice %arg7[%arg0, %add3A_42, %dma_start3A_94] : memref<2x10240x128xf32, #tpu.memory_space<hbm>> -> memref<1x128x128xf32, #tpu.memory_space<hbm>>
      %dma_start3A_96 = tpu.memref_squeeze %dma_start3A_95 : memref<1x128x128xf32, #tpu.memory_space<hbm>> -> memref<128x128xf32, #tpu.memory_space<hbm>>
      tpu.enqueue_dma source(%arg18 : memref<128x128xf32, #tpu.memory_space<vmem>>) target(%dma_start3A_96 : memref<128x128xf32, #tpu.memory_space<hbm>>) target_semaphore(%run_scoped3A : memref<!tpu.dma_semaphore, #tpu.memory_space<semaphore_mem>>)
      %dma_wait3A_97 = arith.constant 0 : i32
      %dma_wait3A_98 = tpu.memref_slice %arg7[%arg0, %add3A_42, %dma_wait3A_97] : memref<2x10240x128xf32, #tpu.memory_space<hbm>> -> memref<1x128x128xf32, #tpu.memory_space<hbm>>
      %dma_wait3A_99 = tpu.memref_squeeze %dma_wait3A_98 : memref<1x128x128xf32, #tpu.memory_space<hbm>> -> memref<128x128xf32, #tpu.memory_space<hbm>>
      %dma_wait3A_100 = arith.constant 0 : i32
      %dma_wait3A_101 = tpu.memref_slice %arg7[%arg0, %add3A_42, %dma_wait3A_100] : memref<2x10240x128xf32, #tpu.memory_space<hbm>> -> memref<1x128x128xf32, #tpu.memory_space<hbm>>
      %dma_wait3A_102 = tpu.memref_squeeze %dma_wait3A_101 : memref<1x128x128xf32, #tpu.memory_space<hbm>> -> memref<128x128xf32, #tpu.memory_space<hbm>>
      tpu.wait_dma2 semaphore(%run_scoped3A : memref<!tpu.dma_semaphore, #tpu.memory_space<semaphore_mem>>) src(%arg18 : memref<128x128xf32, #tpu.memory_space<vmem>>) dst(%dma_wait3A_102 : memref<128x128xf32, #tpu.memory_space<hbm>>)
      tpu.yield
    }) : () -> ()
    %add3A_43 = arith.constant 128 : i32
    %add3A_44 = arith.addi %mul3A_0, %add3A_43 : i32
    "tpu.region"() ({
      %run_scoped3A = tpu.sem_alloc : memref<!tpu.dma_semaphore, #tpu.memory_space<semaphore_mem>>
      %dma_start3A_91 = arith.constant 0 : i32
      %dma_start3A_92 = tpu.memref_slice %arg9[%add3A_44, %dma_start3A_91] : memref<10240x128xf32, #tpu.memory_space<vmem_shared>> -> memref<128x128xf32, #tpu.memory_space<vmem_shared>>
      %dma_start3A_93 = arith.constant 0 : i32
      %dma_start3A_94 = tpu.memref_slice %arg9[%add3A_44, %dma_start3A_93] : memref<10240x128xf32, #tpu.memory_space<vmem_shared>> -> memref<128x128xf32, #tpu.memory_space<vmem_shared>>
      tpu.enqueue_dma source(%dma_start3A_94 : memref<128x128xf32, #tpu.memory_space<vmem_shared>>) target(%arg18 : memref<128x128xf32, #tpu.memory_space<vmem>>) target_semaphore(%run_scoped3A : memref<!tpu.dma_semaphore, #tpu.memory_space<semaphore_mem>>)
      %dma_wait3A_95 = arith.constant 0 : i32
      %dma_wait3A_96 = tpu.memref_slice %arg9[%add3A_44, %dma_wait3A_95] : memref<10240x128xf32, #tpu.memory_space<vmem_shared>> -> memref<128x128xf32, #tpu.memory_space<vmem_shared>>
      %dma_wait3A_97 = arith.constant 0 : i32
      %dma_wait3A_98 = tpu.memref_slice %arg9[%add3A_44, %dma_wait3A_97] : memref<10240x128xf32, #tpu.memory_space<vmem_shared>> -> memref<128x128xf32, #tpu.memory_space<vmem_shared>>
      tpu.wait_dma2 semaphore(%run_scoped3A : memref<!tpu.dma_semaphore, #tpu.memory_space<semaphore_mem>>) src(%dma_wait3A_98 : memref<128x128xf32, #tpu.memory_space<vmem_shared>>) dst(%arg18 : memref<128x128xf32, #tpu.memory_space<vmem>>)
      tpu.yield
    }) : () -> ()
    "tpu.region"() ({
      %run_scoped3A = tpu.sem_alloc : memref<!tpu.dma_semaphore, #tpu.memory_space<semaphore_mem>>
      %dma_start3A_91 = arith.constant 0 : i32
      %dma_start3A_92 = tpu.memref_slice %arg7[%arg0, %add3A_44, %dma_start3A_91] : memref<2x10240x128xf32, #tpu.memory_space<hbm>> -> memref<1x128x128xf32, #tpu.memory_space<hbm>>
      %dma_start3A_93 = tpu.memref_squeeze %dma_start3A_92 : memref<1x128x128xf32, #tpu.memory_space<hbm>> -> memref<128x128xf32, #tpu.memory_space<hbm>>
      %dma_start3A_94 = arith.constant 0 : i32
      %dma_start3A_95 = tpu.memref_slice %arg7[%arg0, %add3A_44, %dma_start3A_94] : memref<2x10240x128xf32, #tpu.memory_space<hbm>> -> memref<1x128x128xf32, #tpu.memory_space<hbm>>
      %dma_start3A_96 = tpu.memref_squeeze %dma_start3A_95 : memref<1x128x128xf32, #tpu.memory_space<hbm>> -> memref<128x128xf32, #tpu.memory_space<hbm>>
      tpu.enqueue_dma source(%arg18 : memref<128x128xf32, #tpu.memory_space<vmem>>) target(%dma_start3A_96 : memref<128x128xf32, #tpu.memory_space<hbm>>) target_semaphore(%run_scoped3A : memref<!tpu.dma_semaphore, #tpu.memory_space<semaphore_mem>>)
      %dma_wait3A_97 = arith.constant 0 : i32
      %dma_wait3A_98 = tpu.memref_slice %arg7[%arg0, %add3A_44, %dma_wait3A_97] : memref<2x10240x128xf32, #tpu.memory_space<hbm>> -> memref<1x128x128xf32, #tpu.memory_space<hbm>>
      %dma_wait3A_99 = tpu.memref_squeeze %dma_wait3A_98 : memref<1x128x128xf32, #tpu.memory_space<hbm>> -> memref<128x128xf32, #tpu.memory_space<hbm>>
      %dma_wait3A_100 = arith.constant 0 : i32
      %dma_wait3A_101 = tpu.memref_slice %arg7[%arg0, %add3A_44, %dma_wait3A_100] : memref<2x10240x128xf32, #tpu.memory_space<hbm>> -> memref<1x128x128xf32, #tpu.memory_space<hbm>>
      %dma_wait3A_102 = tpu.memref_squeeze %dma_wait3A_101 : memref<1x128x128xf32, #tpu.memory_space<hbm>> -> memref<128x128xf32, #tpu.memory_space<hbm>>
      tpu.wait_dma2 semaphore(%run_scoped3A : memref<!tpu.dma_semaphore, #tpu.memory_space<semaphore_mem>>) src(%arg18 : memref<128x128xf32, #tpu.memory_space<vmem>>) dst(%dma_wait3A_102 : memref<128x128xf32, #tpu.memory_space<hbm>>)
      tpu.yield
    }) : () -> ()
    %add3A_45 = arith.constant 256 : i32
    %add3A_46 = arith.addi %mul3A_0, %add3A_45 : i32
    "tpu.region"() ({
      %run_scoped3A = tpu.sem_alloc : memref<!tpu.dma_semaphore, #tpu.memory_space<semaphore_mem>>
      %dma_start3A_91 = arith.constant 0 : i32
      %dma_start3A_92 = tpu.memref_slice %arg9[%add3A_46, %dma_start3A_91] : memref<10240x128xf32, #tpu.memory_space<vmem_shared>> -> memref<128x128xf32, #tpu.memory_space<vmem_shared>>
      %dma_start3A_93 = arith.constant 0 : i32
      %dma_start3A_94 = tpu.memref_slice %arg9[%add3A_46, %dma_start3A_93] : memref<10240x128xf32, #tpu.memory_space<vmem_shared>> -> memref<128x128xf32, #tpu.memory_space<vmem_shared>>
      tpu.enqueue_dma source(%dma_start3A_94 : memref<128x128xf32, #tpu.memory_space<vmem_shared>>) target(%arg18 : memref<128x128xf32, #tpu.memory_space<vmem>>) target_semaphore(%run_scoped3A : memref<!tpu.dma_semaphore, #tpu.memory_space<semaphore_mem>>)
      %dma_wait3A_95 = arith.constant 0 : i32
      %dma_wait3A_96 = tpu.memref_slice %arg9[%add3A_46, %dma_wait3A_95] : memref<10240x128xf32, #tpu.memory_space<vmem_shared>> -> memref<128x128xf32, #tpu.memory_space<vmem_shared>>
      %dma_wait3A_97 = arith.constant 0 : i32
      %dma_wait3A_98 = tpu.memref_slice %arg9[%add3A_46, %dma_wait3A_97] : memref<10240x128xf32, #tpu.memory_space<vmem_shared>> -> memref<128x128xf32, #tpu.memory_space<vmem_shared>>
      tpu.wait_dma2 semaphore(%run_scoped3A : memref<!tpu.dma_semaphore, #tpu.memory_space<semaphore_mem>>) src(%dma_wait3A_98 : memref<128x128xf32, #tpu.memory_space<vmem_shared>>) dst(%arg18 : memref<128x128xf32, #tpu.memory_space<vmem>>)
      tpu.yield
    }) : () -> ()
    "tpu.region"() ({
      %run_scoped3A = tpu.sem_alloc : memref<!tpu.dma_semaphore, #tpu.memory_space<semaphore_mem>>
      %dma_start3A_91 = arith.constant 0 : i32
      %dma_start3A_92 = tpu.memref_slice %arg7[%arg0, %add3A_46, %dma_start3A_91] : memref<2x10240x128xf32, #tpu.memory_space<hbm>> -> memref<1x128x128xf32, #tpu.memory_space<hbm>>
      %dma_start3A_93 = tpu.memref_squeeze %dma_start3A_92 : memref<1x128x128xf32, #tpu.memory_space<hbm>> -> memref<128x128xf32, #tpu.memory_space<hbm>>
      %dma_start3A_94 = arith.constant 0 : i32
      %dma_start3A_95 = tpu.memref_slice %arg7[%arg0, %add3A_46, %dma_start3A_94] : memref<2x10240x128xf32, #tpu.memory_space<hbm>> -> memref<1x128x128xf32, #tpu.memory_space<hbm>>
      %dma_start3A_96 = tpu.memref_squeeze %dma_start3A_95 : memref<1x128x128xf32, #tpu.memory_space<hbm>> -> memref<128x128xf32, #tpu.memory_space<hbm>>
      tpu.enqueue_dma source(%arg18 : memref<128x128xf32, #tpu.memory_space<vmem>>) target(%dma_start3A_96 : memref<128x128xf32, #tpu.memory_space<hbm>>) target_semaphore(%run_scoped3A : memref<!tpu.dma_semaphore, #tpu.memory_space<semaphore_mem>>)
      %dma_wait3A_97 = arith.constant 0 : i32
      %dma_wait3A_98 = tpu.memref_slice %arg7[%arg0, %add3A_46, %dma_wait3A_97] : memref<2x10240x128xf32, #tpu.memory_space<hbm>> -> memref<1x128x128xf32, #tpu.memory_space<hbm>>
      %dma_wait3A_99 = tpu.memref_squeeze %dma_wait3A_98 : memref<1x128x128xf32, #tpu.memory_space<hbm>> -> memref<128x128xf32, #tpu.memory_space<hbm>>
      %dma_wait3A_100 = arith.constant 0 : i32
      %dma_wait3A_101 = tpu.memref_slice %arg7[%arg0, %add3A_46, %dma_wait3A_100] : memref<2x10240x128xf32, #tpu.memory_space<hbm>> -> memref<1x128x128xf32, #tpu.memory_space<hbm>>
      %dma_wait3A_102 = tpu.memref_squeeze %dma_wait3A_101 : memref<1x128x128xf32, #tpu.memory_space<hbm>> -> memref<128x128xf32, #tpu.memory_space<hbm>>
      tpu.wait_dma2 semaphore(%run_scoped3A : memref<!tpu.dma_semaphore, #tpu.memory_space<semaphore_mem>>) src(%arg18 : memref<128x128xf32, #tpu.memory_space<vmem>>) dst(%dma_wait3A_102 : memref<128x128xf32, #tpu.memory_space<hbm>>)
      tpu.yield
    }) : () -> ()
    %add3A_47 = arith.constant 384 : i32
    %add3A_48 = arith.addi %mul3A_0, %add3A_47 : i32
    "tpu.region"() ({
      %run_scoped3A = tpu.sem_alloc : memref<!tpu.dma_semaphore, #tpu.memory_space<semaphore_mem>>
      %dma_start3A_91 = arith.constant 0 : i32
      %dma_start3A_92 = tpu.memref_slice %arg9[%add3A_48, %dma_start3A_91] : memref<10240x128xf32, #tpu.memory_space<vmem_shared>> -> memref<128x128xf32, #tpu.memory_space<vmem_shared>>
      %dma_start3A_93 = arith.constant 0 : i32
      %dma_start3A_94 = tpu.memref_slice %arg9[%add3A_48, %dma_start3A_93] : memref<10240x128xf32, #tpu.memory_space<vmem_shared>> -> memref<128x128xf32, #tpu.memory_space<vmem_shared>>
      tpu.enqueue_dma source(%dma_start3A_94 : memref<128x128xf32, #tpu.memory_space<vmem_shared>>) target(%arg18 : memref<128x128xf32, #tpu.memory_space<vmem>>) target_semaphore(%run_scoped3A : memref<!tpu.dma_semaphore, #tpu.memory_space<semaphore_mem>>)
      %dma_wait3A_95 = arith.constant 0 : i32
      %dma_wait3A_96 = tpu.memref_slice %arg9[%add3A_48, %dma_wait3A_95] : memref<10240x128xf32, #tpu.memory_space<vmem_shared>> -> memref<128x128xf32, #tpu.memory_space<vmem_shared>>
      %dma_wait3A_97 = arith.constant 0 : i32
      %dma_wait3A_98 = tpu.memref_slice %arg9[%add3A_48, %dma_wait3A_97] : memref<10240x128xf32, #tpu.memory_space<vmem_shared>> -> memref<128x128xf32, #tpu.memory_space<vmem_shared>>
      tpu.wait_dma2 semaphore(%run_scoped3A : memref<!tpu.dma_semaphore, #tpu.memory_space<semaphore_mem>>) src(%dma_wait3A_98 : memref<128x128xf32, #tpu.memory_space<vmem_shared>>) dst(%arg18 : memref<128x128xf32, #tpu.memory_space<vmem>>)
      tpu.yield
    }) : () -> ()
    "tpu.region"() ({
      %run_scoped3A = tpu.sem_alloc : memref<!tpu.dma_semaphore, #tpu.memory_space<semaphore_mem>>
      %dma_start3A_91 = arith.constant 0 : i32
      %dma_start3A_92 = tpu.memref_slice %arg7[%arg0, %add3A_48, %dma_start3A_91] : memref<2x10240x128xf32, #tpu.memory_space<hbm>> -> memref<1x128x128xf32, #tpu.memory_space<hbm>>
      %dma_start3A_93 = tpu.memref_squeeze %dma_start3A_92 : memref<1x128x128xf32, #tpu.memory_space<hbm>> -> memref<128x128xf32, #tpu.memory_space<hbm>>
      %dma_start3A_94 = arith.constant 0 : i32
      %dma_start3A_95 = tpu.memref_slice %arg7[%arg0, %add3A_48, %dma_start3A_94] : memref<2x10240x128xf32, #tpu.memory_space<hbm>> -> memref<1x128x128xf32, #tpu.memory_space<hbm>>
      %dma_start3A_96 = tpu.memref_squeeze %dma_start3A_95 : memref<1x128x128xf32, #tpu.memory_space<hbm>> -> memref<128x128xf32, #tpu.memory_space<hbm>>
      tpu.enqueue_dma source(%arg18 : memref<128x128xf32, #tpu.memory_space<vmem>>) target(%dma_start3A_96 : memref<128x128xf32, #tpu.memory_space<hbm>>) target_semaphore(%run_scoped3A : memref<!tpu.dma_semaphore, #tpu.memory_space<semaphore_mem>>)
      %dma_wait3A_97 = arith.constant 0 : i32
      %dma_wait3A_98 = tpu.memref_slice %arg7[%arg0, %add3A_48, %dma_wait3A_97] : memref<2x10240x128xf32, #tpu.memory_space<hbm>> -> memref<1x128x128xf32, #tpu.memory_space<hbm>>
      %dma_wait3A_99 = tpu.memref_squeeze %dma_wait3A_98 : memref<1x128x128xf32, #tpu.memory_space<hbm>> -> memref<128x128xf32, #tpu.memory_space<hbm>>
      %dma_wait3A_100 = arith.constant 0 : i32
      %dma_wait3A_101 = tpu.memref_slice %arg7[%arg0, %add3A_48, %dma_wait3A_100] : memref<2x10240x128xf32, #tpu.memory_space<hbm>> -> memref<1x128x128xf32, #tpu.memory_space<hbm>>
      %dma_wait3A_102 = tpu.memref_squeeze %dma_wait3A_101 : memref<1x128x128xf32, #tpu.memory_space<hbm>> -> memref<128x128xf32, #tpu.memory_space<hbm>>
      tpu.wait_dma2 semaphore(%run_scoped3A : memref<!tpu.dma_semaphore, #tpu.memory_space<semaphore_mem>>) src(%arg18 : memref<128x128xf32, #tpu.memory_space<vmem>>) dst(%dma_wait3A_102 : memref<128x128xf32, #tpu.memory_space<hbm>>)
      tpu.yield
    }) : () -> ()
    %add3A_49 = arith.constant 512 : i32
    %add3A_50 = arith.addi %mul3A_0, %add3A_49 : i32
    "tpu.region"() ({
      %run_scoped3A = tpu.sem_alloc : memref<!tpu.dma_semaphore, #tpu.memory_space<semaphore_mem>>
      %dma_start3A_91 = arith.constant 0 : i32
      %dma_start3A_92 = tpu.memref_slice %arg9[%add3A_50, %dma_start3A_91] : memref<10240x128xf32, #tpu.memory_space<vmem_shared>> -> memref<128x128xf32, #tpu.memory_space<vmem_shared>>
      %dma_start3A_93 = arith.constant 0 : i32
      %dma_start3A_94 = tpu.memref_slice %arg9[%add3A_50, %dma_start3A_93] : memref<10240x128xf32, #tpu.memory_space<vmem_shared>> -> memref<128x128xf32, #tpu.memory_space<vmem_shared>>
      tpu.enqueue_dma source(%dma_start3A_94 : memref<128x128xf32, #tpu.memory_space<vmem_shared>>) target(%arg18 : memref<128x128xf32, #tpu.memory_space<vmem>>) target_semaphore(%run_scoped3A : memref<!tpu.dma_semaphore, #tpu.memory_space<semaphore_mem>>)
      %dma_wait3A_95 = arith.constant 0 : i32
      %dma_wait3A_96 = tpu.memref_slice %arg9[%add3A_50, %dma_wait3A_95] : memref<10240x128xf32, #tpu.memory_space<vmem_shared>> -> memref<128x128xf32, #tpu.memory_space<vmem_shared>>
      %dma_wait3A_97 = arith.constant 0 : i32
      %dma_wait3A_98 = tpu.memref_slice %arg9[%add3A_50, %dma_wait3A_97] : memref<10240x128xf32, #tpu.memory_space<vmem_shared>> -> memref<128x128xf32, #tpu.memory_space<vmem_shared>>
      tpu.wait_dma2 semaphore(%run_scoped3A : memref<!tpu.dma_semaphore, #tpu.memory_space<semaphore_mem>>) src(%dma_wait3A_98 : memref<128x128xf32, #tpu.memory_space<vmem_shared>>) dst(%arg18 : memref<128x128xf32, #tpu.memory_space<vmem>>)
      tpu.yield
    }) : () -> ()
    "tpu.region"() ({
      %run_scoped3A = tpu.sem_alloc : memref<!tpu.dma_semaphore, #tpu.memory_space<semaphore_mem>>
      %dma_start3A_91 = arith.constant 0 : i32
      %dma_start3A_92 = tpu.memref_slice %arg7[%arg0, %add3A_50, %dma_start3A_91] : memref<2x10240x128xf32, #tpu.memory_space<hbm>> -> memref<1x128x128xf32, #tpu.memory_space<hbm>>
      %dma_start3A_93 = tpu.memref_squeeze %dma_start3A_92 : memref<1x128x128xf32, #tpu.memory_space<hbm>> -> memref<128x128xf32, #tpu.memory_space<hbm>>
      %dma_start3A_94 = arith.constant 0 : i32
      %dma_start3A_95 = tpu.memref_slice %arg7[%arg0, %add3A_50, %dma_start3A_94] : memref<2x10240x128xf32, #tpu.memory_space<hbm>> -> memref<1x128x128xf32, #tpu.memory_space<hbm>>
      %dma_start3A_96 = tpu.memref_squeeze %dma_start3A_95 : memref<1x128x128xf32, #tpu.memory_space<hbm>> -> memref<128x128xf32, #tpu.memory_space<hbm>>
      tpu.enqueue_dma source(%arg18 : memref<128x128xf32, #tpu.memory_space<vmem>>) target(%dma_start3A_96 : memref<128x128xf32, #tpu.memory_space<hbm>>) target_semaphore(%run_scoped3A : memref<!tpu.dma_semaphore, #tpu.memory_space<semaphore_mem>>)
      %dma_wait3A_97 = arith.constant 0 : i32
      %dma_wait3A_98 = tpu.memref_slice %arg7[%arg0, %add3A_50, %dma_wait3A_97] : memref<2x10240x128xf32, #tpu.memory_space<hbm>> -> memref<1x128x128xf32, #tpu.memory_space<hbm>>
      %dma_wait3A_99 = tpu.memref_squeeze %dma_wait3A_98 : memref<1x128x128xf32, #tpu.memory_space<hbm>> -> memref<128x128xf32, #tpu.memory_space<hbm>>
      %dma_wait3A_100 = arith.constant 0 : i32
      %dma_wait3A_101 = tpu.memref_slice %arg7[%arg0, %add3A_50, %dma_wait3A_100] : memref<2x10240x128xf32, #tpu.memory_space<hbm>> -> memref<1x128x128xf32, #tpu.memory_space<hbm>>
      %dma_wait3A_102 = tpu.memref_squeeze %dma_wait3A_101 : memref<1x128x128xf32, #tpu.memory_space<hbm>> -> memref<128x128xf32, #tpu.memory_space<hbm>>
      tpu.wait_dma2 semaphore(%run_scoped3A : memref<!tpu.dma_semaphore, #tpu.memory_space<semaphore_mem>>) src(%arg18 : memref<128x128xf32, #tpu.memory_space<vmem>>) dst(%dma_wait3A_102 : memref<128x128xf32, #tpu.memory_space<hbm>>)
      tpu.yield
    }) : () -> ()
    %barrier3A_51 = arith.constant 0 : index
    tpu.barrier barrier_id(%barrier3A_51)
    "tpu.region"() ({
      %run_scoped3A = tpu.sem_alloc : memref<!tpu.dma_semaphore, #tpu.memory_space<semaphore_mem>>
      tpu.enqueue_dma source(%arg5 : memref<128x128xf32, #tpu.memory_space<hbm>>) target(%arg18 : memref<128x128xf32, #tpu.memory_space<vmem>>) target_semaphore(%run_scoped3A : memref<!tpu.dma_semaphore, #tpu.memory_space<semaphore_mem>>)
      tpu.wait_dma2 semaphore(%run_scoped3A : memref<!tpu.dma_semaphore, #tpu.memory_space<semaphore_mem>>) src(%arg5 : memref<128x128xf32, #tpu.memory_space<hbm>>) dst(%arg18 : memref<128x128xf32, #tpu.memory_space<vmem>>)
      tpu.yield
    }) : () -> ()
    %add3A_52 = arith.constant 0 : i32
    %add3A_53 = arith.addi %mul3A_0, %add3A_52 : i32
    "tpu.region"() ({
      %run_scoped3A = tpu.sem_alloc : memref<!tpu.dma_semaphore, #tpu.memory_space<semaphore_mem>>
      %dma_start3A_91 = arith.constant 0 : i32
      %dma_start3A_92 = tpu.memref_slice %arg9[%add3A_53, %dma_start3A_91] : memref<10240x128xf32, #tpu.memory_space<vmem_shared>> -> memref<128x128xf32, #tpu.memory_space<vmem_shared>>
      %dma_start3A_93 = arith.constant 0 : i32
      %dma_start3A_94 = tpu.memref_slice %arg9[%add3A_53, %dma_start3A_93] : memref<10240x128xf32, #tpu.memory_space<vmem_shared>> -> memref<128x128xf32, #tpu.memory_space<vmem_shared>>
      tpu.enqueue_dma source(%arg18 : memref<128x128xf32, #tpu.memory_space<vmem>>) target(%dma_start3A_94 : memref<128x128xf32, #tpu.memory_space<vmem_shared>>) target_semaphore(%run_scoped3A : memref<!tpu.dma_semaphore, #tpu.memory_space<semaphore_mem>>)
      %dma_wait3A_95 = arith.constant 0 : i32
      %dma_wait3A_96 = tpu.memref_slice %arg9[%add3A_53, %dma_wait3A_95] : memref<10240x128xf32, #tpu.memory_space<vmem_shared>> -> memref<128x128xf32, #tpu.memory_space<vmem_shared>>
      %dma_wait3A_97 = arith.constant 0 : i32
      %dma_wait3A_98 = tpu.memref_slice %arg9[%add3A_53, %dma_wait3A_97] : memref<10240x128xf32, #tpu.memory_space<vmem_shared>> -> memref<128x128xf32, #tpu.memory_space<vmem_shared>>
      tpu.wait_dma2 semaphore(%run_scoped3A : memref<!tpu.dma_semaphore, #tpu.memory_space<semaphore_mem>>) src(%arg18 : memref<128x128xf32, #tpu.memory_space<vmem>>) dst(%dma_wait3A_98 : memref<128x128xf32, #tpu.memory_space<vmem_shared>>)
      tpu.yield
    }) : () -> ()
    %add3A_54 = arith.constant 128 : i32
    %add3A_55 = arith.addi %mul3A_0, %add3A_54 : i32
    "tpu.region"() ({
      %run_scoped3A = tpu.sem_alloc : memref<!tpu.dma_semaphore, #tpu.memory_space<semaphore_mem>>
      %dma_start3A_91 = arith.constant 0 : i32
      %dma_start3A_92 = tpu.memref_slice %arg9[%add3A_55, %dma_start3A_91] : memref<10240x128xf32, #tpu.memory_space<vmem_shared>> -> memref<128x128xf32, #tpu.memory_space<vmem_shared>>
      %dma_start3A_93 = arith.constant 0 : i32
      %dma_start3A_94 = tpu.memref_slice %arg9[%add3A_55, %dma_start3A_93] : memref<10240x128xf32, #tpu.memory_space<vmem_shared>> -> memref<128x128xf32, #tpu.memory_space<vmem_shared>>
      tpu.enqueue_dma source(%arg18 : memref<128x128xf32, #tpu.memory_space<vmem>>) target(%dma_start3A_94 : memref<128x128xf32, #tpu.memory_space<vmem_shared>>) target_semaphore(%run_scoped3A : memref<!tpu.dma_semaphore, #tpu.memory_space<semaphore_mem>>)
      %dma_wait3A_95 = arith.constant 0 : i32
      %dma_wait3A_96 = tpu.memref_slice %arg9[%add3A_55, %dma_wait3A_95] : memref<10240x128xf32, #tpu.memory_space<vmem_shared>> -> memref<128x128xf32, #tpu.memory_space<vmem_shared>>
      %dma_wait3A_97 = arith.constant 0 : i32
      %dma_wait3A_98 = tpu.memref_slice %arg9[%add3A_55, %dma_wait3A_97] : memref<10240x128xf32, #tpu.memory_space<vmem_shared>> -> memref<128x128xf32, #tpu.memory_space<vmem_shared>>
      tpu.wait_dma2 semaphore(%run_scoped3A : memref<!tpu.dma_semaphore, #tpu.memory_space<semaphore_mem>>) src(%arg18 : memref<128x128xf32, #tpu.memory_space<vmem>>) dst(%dma_wait3A_98 : memref<128x128xf32, #tpu.memory_space<vmem_shared>>)
      tpu.yield
    }) : () -> ()
    %add3A_56 = arith.constant 256 : i32
    %add3A_57 = arith.addi %mul3A_0, %add3A_56 : i32
    "tpu.region"() ({
      %run_scoped3A = tpu.sem_alloc : memref<!tpu.dma_semaphore, #tpu.memory_space<semaphore_mem>>
      %dma_start3A_91 = arith.constant 0 : i32
      %dma_start3A_92 = tpu.memref_slice %arg9[%add3A_57, %dma_start3A_91] : memref<10240x128xf32, #tpu.memory_space<vmem_shared>> -> memref<128x128xf32, #tpu.memory_space<vmem_shared>>
      %dma_start3A_93 = arith.constant 0 : i32
      %dma_start3A_94 = tpu.memref_slice %arg9[%add3A_57, %dma_start3A_93] : memref<10240x128xf32, #tpu.memory_space<vmem_shared>> -> memref<128x128xf32, #tpu.memory_space<vmem_shared>>
      tpu.enqueue_dma source(%arg18 : memref<128x128xf32, #tpu.memory_space<vmem>>) target(%dma_start3A_94 : memref<128x128xf32, #tpu.memory_space<vmem_shared>>) target_semaphore(%run_scoped3A : memref<!tpu.dma_semaphore, #tpu.memory_space<semaphore_mem>>)
      %dma_wait3A_95 = arith.constant 0 : i32
      %dma_wait3A_96 = tpu.memref_slice %arg9[%add3A_57, %dma_wait3A_95] : memref<10240x128xf32, #tpu.memory_space<vmem_shared>> -> memref<128x128xf32, #tpu.memory_space<vmem_shared>>
      %dma_wait3A_97 = arith.constant 0 : i32
      %dma_wait3A_98 = tpu.memref_slice %arg9[%add3A_57, %dma_wait3A_97] : memref<10240x128xf32, #tpu.memory_space<vmem_shared>> -> memref<128x128xf32, #tpu.memory_space<vmem_shared>>
      tpu.wait_dma2 semaphore(%run_scoped3A : memref<!tpu.dma_semaphore, #tpu.memory_space<semaphore_mem>>) src(%arg18 : memref<128x128xf32, #tpu.memory_space<vmem>>) dst(%dma_wait3A_98 : memref<128x128xf32, #tpu.memory_space<vmem_shared>>)
      tpu.yield
    }) : () -> ()
    %add3A_58 = arith.constant 384 : i32
    %add3A_59 = arith.addi %mul3A_0, %add3A_58 : i32
    "tpu.region"() ({
      %run_scoped3A = tpu.sem_alloc : memref<!tpu.dma_semaphore, #tpu.memory_space<semaphore_mem>>
      %dma_start3A_91 = arith.constant 0 : i32
      %dma_start3A_92 = tpu.memref_slice %arg9[%add3A_59, %dma_start3A_91] : memref<10240x128xf32, #tpu.memory_space<vmem_shared>> -> memref<128x128xf32, #tpu.memory_space<vmem_shared>>
      %dma_start3A_93 = arith.constant 0 : i32
      %dma_start3A_94 = tpu.memref_slice %arg9[%add3A_59, %dma_start3A_93] : memref<10240x128xf32, #tpu.memory_space<vmem_shared>> -> memref<128x128xf32, #tpu.memory_space<vmem_shared>>
      tpu.enqueue_dma source(%arg18 : memref<128x128xf32, #tpu.memory_space<vmem>>) target(%dma_start3A_94 : memref<128x128xf32, #tpu.memory_space<vmem_shared>>) target_semaphore(%run_scoped3A : memref<!tpu.dma_semaphore, #tpu.memory_space<semaphore_mem>>)
      %dma_wait3A_95 = arith.constant 0 : i32
      %dma_wait3A_96 = tpu.memref_slice %arg9[%add3A_59, %dma_wait3A_95] : memref<10240x128xf32, #tpu.memory_space<vmem_shared>> -> memref<128x128xf32, #tpu.memory_space<vmem_shared>>
      %dma_wait3A_97 = arith.constant 0 : i32
      %dma_wait3A_98 = tpu.memref_slice %arg9[%add3A_59, %dma_wait3A_97] : memref<10240x128xf32, #tpu.memory_space<vmem_shared>> -> memref<128x128xf32, #tpu.memory_space<vmem_shared>>
      tpu.wait_dma2 semaphore(%run_scoped3A : memref<!tpu.dma_semaphore, #tpu.memory_space<semaphore_mem>>) src(%arg18 : memref<128x128xf32, #tpu.memory_space<vmem>>) dst(%dma_wait3A_98 : memref<128x128xf32, #tpu.memory_space<vmem_shared>>)
      tpu.yield
    }) : () -> ()
    %add3A_60 = arith.constant 512 : i32
    %add3A_61 = arith.addi %mul3A_0, %add3A_60 : i32
    "tpu.region"() ({
      %run_scoped3A = tpu.sem_alloc : memref<!tpu.dma_semaphore, #tpu.memory_space<semaphore_mem>>
      %dma_start3A_91 = arith.constant 0 : i32
      %dma_start3A_92 = tpu.memref_slice %arg9[%add3A_61, %dma_start3A_91] : memref<10240x128xf32, #tpu.memory_space<vmem_shared>> -> memref<128x128xf32, #tpu.memory_space<vmem_shared>>
      %dma_start3A_93 = arith.constant 0 : i32
      %dma_start3A_94 = tpu.memref_slice %arg9[%add3A_61, %dma_start3A_93] : memref<10240x128xf32, #tpu.memory_space<vmem_shared>> -> memref<128x128xf32, #tpu.memory_space<vmem_shared>>
      tpu.enqueue_dma source(%arg18 : memref<128x128xf32, #tpu.memory_space<vmem>>) target(%dma_start3A_94 : memref<128x128xf32, #tpu.memory_space<vmem_shared>>) target_semaphore(%run_scoped3A : memref<!tpu.dma_semaphore, #tpu.memory_space<semaphore_mem>>)
      %dma_wait3A_95 = arith.constant 0 : i32
      %dma_wait3A_96 = tpu.memref_slice %arg9[%add3A_61, %dma_wait3A_95] : memref<10240x128xf32, #tpu.memory_space<vmem_shared>> -> memref<128x128xf32, #tpu.memory_space<vmem_shared>>
      %dma_wait3A_97 = arith.constant 0 : i32
      %dma_wait3A_98 = tpu.memref_slice %arg9[%add3A_61, %dma_wait3A_97] : memref<10240x128xf32, #tpu.memory_space<vmem_shared>> -> memref<128x128xf32, #tpu.memory_space<vmem_shared>>
      tpu.wait_dma2 semaphore(%run_scoped3A : memref<!tpu.dma_semaphore, #tpu.memory_space<semaphore_mem>>) src(%arg18 : memref<128x128xf32, #tpu.memory_space<vmem>>) dst(%dma_wait3A_98 : memref<128x128xf32, #tpu.memory_space<vmem_shared>>)
      tpu.yield
    }) : () -> ()
    "tpu.region"() ({
      %run_scoped3A = tpu.sem_alloc : memref<!tpu.dma_semaphore, #tpu.memory_space<semaphore_mem>>
      tpu.enqueue_dma source(%arg6 : memref<128x128xf32, #tpu.memory_space<hbm>>) target(%arg18 : memref<128x128xf32, #tpu.memory_space<vmem>>) target_semaphore(%run_scoped3A : memref<!tpu.dma_semaphore, #tpu.memory_space<semaphore_mem>>)
      tpu.wait_dma2 semaphore(%run_scoped3A : memref<!tpu.dma_semaphore, #tpu.memory_space<semaphore_mem>>) src(%arg6 : memref<128x128xf32, #tpu.memory_space<hbm>>) dst(%arg18 : memref<128x128xf32, #tpu.memory_space<vmem>>)
      tpu.yield
    }) : () -> ()
    %barrier3A_62 = arith.constant 0 : index
    tpu.barrier barrier_id(%barrier3A_62)
    %add3A_63 = arith.constant 0 : i32
    %add3A_64 = arith.addi %add3A, %add3A_63 : i32
    %multiple_of3A_65 = tpu.assume_multiple %add3A_64, 8 : i32
    "tpu.region"() ({
      %run_scoped3A = tpu.sem_alloc : memref<!tpu.dma_semaphore, #tpu.memory_space<semaphore_mem>>
      %dma_start3A_91 = tpu.memref_slice %arg4[%multiple_of3A_65] : memref<640000xi32, #tpu.memory_space<hbm>> -> memref<128xi32, #tpu.memory_space<hbm>>
      %dma_start3A_92 = tpu.memref_slice %arg4[%multiple_of3A_65] : memref<640000xi32, #tpu.memory_space<hbm>> -> memref<128xi32, #tpu.memory_space<hbm>>
      tpu.enqueue_dma source(%dma_start3A_92 : memref<128xi32, #tpu.memory_space<hbm>>) target(%arg10 : memref<128xi32, #tpu.memory_space<vmem>>) target_semaphore(%run_scoped3A : memref<!tpu.dma_semaphore, #tpu.memory_space<semaphore_mem>>)
      %dma_wait3A_93 = tpu.memref_slice %arg4[%multiple_of3A_65] : memref<640000xi32, #tpu.memory_space<hbm>> -> memref<128xi32, #tpu.memory_space<hbm>>
      %dma_wait3A_94 = tpu.memref_slice %arg4[%multiple_of3A_65] : memref<640000xi32, #tpu.memory_space<hbm>> -> memref<128xi32, #tpu.memory_space<hbm>>
      tpu.wait_dma2 semaphore(%run_scoped3A : memref<!tpu.dma_semaphore, #tpu.memory_space<semaphore_mem>>) src(%dma_wait3A_94 : memref<128xi32, #tpu.memory_space<hbm>>) dst(%arg10 : memref<128xi32, #tpu.memory_space<vmem>>)
      tpu.yield
    }) : () -> ()
    %add3A_66 = arith.constant 128 : i32
    %add3A_67 = arith.addi %add3A, %add3A_66 : i32
    %multiple_of3A_68 = tpu.assume_multiple %add3A_67, 8 : i32
    "tpu.region"() ({
      %run_scoped3A = tpu.sem_alloc : memref<!tpu.dma_semaphore, #tpu.memory_space<semaphore_mem>>
      %dma_start3A_91 = tpu.memref_slice %arg4[%multiple_of3A_68] : memref<640000xi32, #tpu.memory_space<hbm>> -> memref<128xi32, #tpu.memory_space<hbm>>
      %dma_start3A_92 = tpu.memref_slice %arg4[%multiple_of3A_68] : memref<640000xi32, #tpu.memory_space<hbm>> -> memref<128xi32, #tpu.memory_space<hbm>>
      tpu.enqueue_dma source(%dma_start3A_92 : memref<128xi32, #tpu.memory_space<hbm>>) target(%arg11 : memref<128xi32, #tpu.memory_space<vmem>>) target_semaphore(%run_scoped3A : memref<!tpu.dma_semaphore, #tpu.memory_space<semaphore_mem>>)
      %dma_wait3A_93 = tpu.memref_slice %arg4[%multiple_of3A_68] : memref<640000xi32, #tpu.memory_space<hbm>> -> memref<128xi32, #tpu.memory_space<hbm>>
      %dma_wait3A_94 = tpu.memref_slice %arg4[%multiple_of3A_68] : memref<640000xi32, #tpu.memory_space<hbm>> -> memref<128xi32, #tpu.memory_space<hbm>>
      tpu.wait_dma2 semaphore(%run_scoped3A : memref<!tpu.dma_semaphore, #tpu.memory_space<semaphore_mem>>) src(%dma_wait3A_94 : memref<128xi32, #tpu.memory_space<hbm>>) dst(%arg11 : memref<128xi32, #tpu.memory_space<vmem>>)
      tpu.yield
    }) : () -> ()
    %add3A_69 = arith.constant 256 : i32
    %add3A_70 = arith.addi %add3A, %add3A_69 : i32
    %multiple_of3A_71 = tpu.assume_multiple %add3A_70, 8 : i32
    "tpu.region"() ({
      %run_scoped3A = tpu.sem_alloc : memref<!tpu.dma_semaphore, #tpu.memory_space<semaphore_mem>>
      %dma_start3A_91 = tpu.memref_slice %arg4[%multiple_of3A_71] : memref<640000xi32, #tpu.memory_space<hbm>> -> memref<128xi32, #tpu.memory_space<hbm>>
      %dma_start3A_92 = tpu.memref_slice %arg4[%multiple_of3A_71] : memref<640000xi32, #tpu.memory_space<hbm>> -> memref<128xi32, #tpu.memory_space<hbm>>
      tpu.enqueue_dma source(%dma_start3A_92 : memref<128xi32, #tpu.memory_space<hbm>>) target(%arg12 : memref<128xi32, #tpu.memory_space<vmem>>) target_semaphore(%run_scoped3A : memref<!tpu.dma_semaphore, #tpu.memory_space<semaphore_mem>>)
      %dma_wait3A_93 = tpu.memref_slice %arg4[%multiple_of3A_71] : memref<640000xi32, #tpu.memory_space<hbm>> -> memref<128xi32, #tpu.memory_space<hbm>>
      %dma_wait3A_94 = tpu.memref_slice %arg4[%multiple_of3A_71] : memref<640000xi32, #tpu.memory_space<hbm>> -> memref<128xi32, #tpu.memory_space<hbm>>
      tpu.wait_dma2 semaphore(%run_scoped3A : memref<!tpu.dma_semaphore, #tpu.memory_space<semaphore_mem>>) src(%dma_wait3A_94 : memref<128xi32, #tpu.memory_space<hbm>>) dst(%arg12 : memref<128xi32, #tpu.memory_space<vmem>>)
      tpu.yield
    }) : () -> ()
    %add3A_72 = arith.constant 384 : i32
    %add3A_73 = arith.addi %add3A, %add3A_72 : i32
    %multiple_of3A_74 = tpu.assume_multiple %add3A_73, 8 : i32
    "tpu.region"() ({
      %run_scoped3A = tpu.sem_alloc : memref<!tpu.dma_semaphore, #tpu.memory_space<semaphore_mem>>
      %dma_start3A_91 = tpu.memref_slice %arg4[%multiple_of3A_74] : memref<640000xi32, #tpu.memory_space<hbm>> -> memref<128xi32, #tpu.memory_space<hbm>>
      %dma_start3A_92 = tpu.memref_slice %arg4[%multiple_of3A_74] : memref<640000xi32, #tpu.memory_space<hbm>> -> memref<128xi32, #tpu.memory_space<hbm>>
      tpu.enqueue_dma source(%dma_start3A_92 : memref<128xi32, #tpu.memory_space<hbm>>) target(%arg13 : memref<128xi32, #tpu.memory_space<vmem>>) target_semaphore(%run_scoped3A : memref<!tpu.dma_semaphore, #tpu.memory_space<semaphore_mem>>)
      %dma_wait3A_93 = tpu.memref_slice %arg4[%multiple_of3A_74] : memref<640000xi32, #tpu.memory_space<hbm>> -> memref<128xi32, #tpu.memory_space<hbm>>
      %dma_wait3A_94 = tpu.memref_slice %arg4[%multiple_of3A_74] : memref<640000xi32, #tpu.memory_space<hbm>> -> memref<128xi32, #tpu.memory_space<hbm>>
      tpu.wait_dma2 semaphore(%run_scoped3A : memref<!tpu.dma_semaphore, #tpu.memory_space<semaphore_mem>>) src(%dma_wait3A_94 : memref<128xi32, #tpu.memory_space<hbm>>) dst(%arg13 : memref<128xi32, #tpu.memory_space<vmem>>)
      tpu.yield
    }) : () -> ()
    %scan3A_75 = arith.constant 0 : i32
    %scan3A_76 = arith.constant 39 : i32
    %scan3A_77 = arith.addi %scan3A_75, %scan3A_76 : i32
    %scan3A_78 = arith.constant 1 : i32
    scf.for %scan3A_91 = %scan3A_75 to %scan3A_77 step %scan3A_78  : i32 {
      %mul3A_92 = arith.constant 1 : i32
      %mul3A_93 = arith.muli %scan3A_91, %mul3A_92 : i32
      %add3A_94 = arith.constant 0 : i32
      %add3A_95 = arith.addi %add3A_94, %mul3A_93 : i32
      %mul3A_96 = arith.constant 4 : i32
      %mul3A_97 = arith.muli %mul3A_96, %add3A_95 : i32
      %dma_start3A_98 = arith.constant 0 : i32
      %dma_start3A_99 = arith.constant 0 : i32
      %dma_start3A_100 = tpu.memref_slice %arg9[%dma_start3A_98, %dma_start3A_99] : memref<10240x128xf32, #tpu.memory_space<vmem_shared>> -> memref<10240x128xf32, #tpu.memory_space<vmem_shared>>
      tpu.enqueue_indirect_dma source(%arg18 : memref<128x128xf32, #tpu.memory_space<vmem>>) target(%dma_start3A_100 : memref<10240x128xf32, #tpu.memory_space<vmem_shared>>) offsets(%arg10 : memref<128xi32, #tpu.memory_space<vmem>>) semaphore(%arg21 : memref<!tpu.dma_semaphore, #tpu.memory_space<semaphore_mem>>) {add = true}
      %dma_start3A_101 = arith.constant 0 : i32
      %dma_start3A_102 = arith.constant 0 : i32
      %dma_start3A_103 = tpu.memref_slice %arg9[%dma_start3A_101, %dma_start3A_102] : memref<10240x128xf32, #tpu.memory_space<vmem_shared>> -> memref<10240x128xf32, #tpu.memory_space<vmem_shared>>
      tpu.enqueue_indirect_dma source(%arg18 : memref<128x128xf32, #tpu.memory_space<vmem>>) target(%dma_start3A_103 : memref<10240x128xf32, #tpu.memory_space<vmem_shared>>) offsets(%arg11 : memref<128xi32, #tpu.memory_space<vmem>>) semaphore(%arg22 : memref<!tpu.dma_semaphore, #tpu.memory_space<semaphore_mem>>) {add = true}
      %dma_start3A_104 = arith.constant 0 : i32
      %dma_start3A_105 = arith.constant 0 : i32
      %dma_start3A_106 = tpu.memref_slice %arg9[%dma_start3A_104, %dma_start3A_105] : memref<10240x128xf32, #tpu.memory_space<vmem_shared>> -> memref<10240x128xf32, #tpu.memory_space<vmem_shared>>
      tpu.enqueue_indirect_dma source(%arg18 : memref<128x128xf32, #tpu.memory_space<vmem>>) target(%dma_start3A_106 : memref<10240x128xf32, #tpu.memory_space<vmem_shared>>) offsets(%arg12 : memref<128xi32, #tpu.memory_space<vmem>>) semaphore(%arg23 : memref<!tpu.dma_semaphore, #tpu.memory_space<semaphore_mem>>) {add = true}
      %dma_start3A_107 = arith.constant 0 : i32
      %dma_start3A_108 = arith.constant 0 : i32
      %dma_start3A_109 = tpu.memref_slice %arg9[%dma_start3A_107, %dma_start3A_108] : memref<10240x128xf32, #tpu.memory_space<vmem_shared>> -> memref<10240x128xf32, #tpu.memory_space<vmem_shared>>
      tpu.enqueue_indirect_dma source(%arg18 : memref<128x128xf32, #tpu.memory_space<vmem>>) target(%dma_start3A_109 : memref<10240x128xf32, #tpu.memory_space<vmem_shared>>) offsets(%arg13 : memref<128xi32, #tpu.memory_space<vmem>>) semaphore(%arg24 : memref<!tpu.dma_semaphore, #tpu.memory_space<semaphore_mem>>) {add = true}
      %dma_wait3A_110 = arith.constant 0 : i32
      %dma_wait3A_111 = arith.constant 0 : i32
      %dma_wait3A_112 = tpu.memref_slice %arg9[%dma_wait3A_110, %dma_wait3A_111] : memref<10240x128xf32, #tpu.memory_space<vmem_shared>> -> memref<10240x128xf32, #tpu.memory_space<vmem_shared>>
      tpu.wait_indirect_dma semaphore(%arg21 : memref<!tpu.dma_semaphore, #tpu.memory_space<semaphore_mem>>) src(%arg18 : memref<128x128xf32, #tpu.memory_space<vmem>>) dst(%dma_wait3A_112 : memref<10240x128xf32, #tpu.memory_space<vmem_shared>>)
      %lt3A = arith.constant 38 : i32
      %lt3A_113 = arith.cmpi slt, %add3A_95, %lt3A : i32
      %convert_element_type3A = arith.extui %lt3A_113 : i1 to i32
      %cond3A = arith.constant 0 : i32
      %cond3A_114 = arith.cmpi ne, %convert_element_type3A, %cond3A : i32
      scf.if %cond3A_114 {
        %add3A_139 = arith.constant 4 : i32
        %add3A_140 = arith.addi %mul3A_97, %add3A_139 : i32
        %add3A_141 = arith.constant 0 : i32
        %add3A_142 = arith.addi %add3A_140, %add3A_141 : i32
        %mul3A_143 = arith.constant 128 : i32
        %mul3A_144 = arith.muli %add3A_142, %mul3A_143 : i32
        %add3A_145 = arith.addi %add3A, %mul3A_144 : i32
        %multiple_of3A_146 = tpu.assume_multiple %add3A_145, 8 : i32
        "tpu.region"() ({
          %run_scoped3A = tpu.sem_alloc : memref<!tpu.dma_semaphore, #tpu.memory_space<semaphore_mem>>
          %dma_start3A_147 = tpu.memref_slice %arg4[%multiple_of3A_146] : memref<640000xi32, #tpu.memory_space<hbm>> -> memref<128xi32, #tpu.memory_space<hbm>>
          %dma_start3A_148 = tpu.memref_slice %arg4[%multiple_of3A_146] : memref<640000xi32, #tpu.memory_space<hbm>> -> memref<128xi32, #tpu.memory_space<hbm>>
          tpu.enqueue_dma source(%dma_start3A_148 : memref<128xi32, #tpu.memory_space<hbm>>) target(%arg10 : memref<128xi32, #tpu.memory_space<vmem>>) target_semaphore(%run_scoped3A : memref<!tpu.dma_semaphore, #tpu.memory_space<semaphore_mem>>)
          %dma_wait3A_149 = tpu.memref_slice %arg4[%multiple_of3A_146] : memref<640000xi32, #tpu.memory_space<hbm>> -> memref<128xi32, #tpu.memory_space<hbm>>
          %dma_wait3A_150 = tpu.memref_slice %arg4[%multiple_of3A_146] : memref<640000xi32, #tpu.memory_space<hbm>> -> memref<128xi32, #tpu.memory_space<hbm>>
          tpu.wait_dma2 semaphore(%run_scoped3A : memref<!tpu.dma_semaphore, #tpu.memory_space<semaphore_mem>>) src(%dma_wait3A_150 : memref<128xi32, #tpu.memory_space<hbm>>) dst(%arg10 : memref<128xi32, #tpu.memory_space<vmem>>)
          tpu.yield
        }) : () -> ()
      } else {
      }
      %dma_wait3A_115 = arith.constant 0 : i32
      %dma_wait3A_116 = arith.constant 0 : i32
      %dma_wait3A_117 = tpu.memref_slice %arg9[%dma_wait3A_115, %dma_wait3A_116] : memref<10240x128xf32, #tpu.memory_space<vmem_shared>> -> memref<10240x128xf32, #tpu.memory_space<vmem_shared>>
      tpu.wait_indirect_dma semaphore(%arg22 : memref<!tpu.dma_semaphore, #tpu.memory_space<semaphore_mem>>) src(%arg18 : memref<128x128xf32, #tpu.memory_space<vmem>>) dst(%dma_wait3A_117 : memref<10240x128xf32, #tpu.memory_space<vmem_shared>>)
      %lt3A_118 = arith.constant 38 : i32
      %lt3A_119 = arith.cmpi slt, %add3A_95, %lt3A_118 : i32
      %convert_element_type3A_120 = arith.extui %lt3A_119 : i1 to i32
      %cond3A_121 = arith.constant 0 : i32
      %cond3A_122 = arith.cmpi ne, %convert_element_type3A_120, %cond3A_121 : i32
      scf.if %cond3A_122 {
        %add3A_139 = arith.constant 4 : i32
        %add3A_140 = arith.addi %mul3A_97, %add3A_139 : i32
        %add3A_141 = arith.constant 1 : i32
        %add3A_142 = arith.addi %add3A_140, %add3A_141 : i32
        %mul3A_143 = arith.constant 128 : i32
        %mul3A_144 = arith.muli %add3A_142, %mul3A_143 : i32
        %add3A_145 = arith.addi %add3A, %mul3A_144 : i32
        %multiple_of3A_146 = tpu.assume_multiple %add3A_145, 8 : i32
        "tpu.region"() ({
          %run_scoped3A = tpu.sem_alloc : memref<!tpu.dma_semaphore, #tpu.memory_space<semaphore_mem>>
          %dma_start3A_147 = tpu.memref_slice %arg4[%multiple_of3A_146] : memref<640000xi32, #tpu.memory_space<hbm>> -> memref<128xi32, #tpu.memory_space<hbm>>
          %dma_start3A_148 = tpu.memref_slice %arg4[%multiple_of3A_146] : memref<640000xi32, #tpu.memory_space<hbm>> -> memref<128xi32, #tpu.memory_space<hbm>>
          tpu.enqueue_dma source(%dma_start3A_148 : memref<128xi32, #tpu.memory_space<hbm>>) target(%arg11 : memref<128xi32, #tpu.memory_space<vmem>>) target_semaphore(%run_scoped3A : memref<!tpu.dma_semaphore, #tpu.memory_space<semaphore_mem>>)
          %dma_wait3A_149 = tpu.memref_slice %arg4[%multiple_of3A_146] : memref<640000xi32, #tpu.memory_space<hbm>> -> memref<128xi32, #tpu.memory_space<hbm>>
          %dma_wait3A_150 = tpu.memref_slice %arg4[%multiple_of3A_146] : memref<640000xi32, #tpu.memory_space<hbm>> -> memref<128xi32, #tpu.memory_space<hbm>>
          tpu.wait_dma2 semaphore(%run_scoped3A : memref<!tpu.dma_semaphore, #tpu.memory_space<semaphore_mem>>) src(%dma_wait3A_150 : memref<128xi32, #tpu.memory_space<hbm>>) dst(%arg11 : memref<128xi32, #tpu.memory_space<vmem>>)
          tpu.yield
        }) : () -> ()
      } else {
      }
      %dma_wait3A_123 = arith.constant 0 : i32
      %dma_wait3A_124 = arith.constant 0 : i32
      %dma_wait3A_125 = tpu.memref_slice %arg9[%dma_wait3A_123, %dma_wait3A_124] : memref<10240x128xf32, #tpu.memory_space<vmem_shared>> -> memref<10240x128xf32, #tpu.memory_space<vmem_shared>>
      tpu.wait_indirect_dma semaphore(%arg23 : memref<!tpu.dma_semaphore, #tpu.memory_space<semaphore_mem>>) src(%arg18 : memref<128x128xf32, #tpu.memory_space<vmem>>) dst(%dma_wait3A_125 : memref<10240x128xf32, #tpu.memory_space<vmem_shared>>)
      %lt3A_126 = arith.constant 38 : i32
      %lt3A_127 = arith.cmpi slt, %add3A_95, %lt3A_126 : i32
      %convert_element_type3A_128 = arith.extui %lt3A_127 : i1 to i32
      %cond3A_129 = arith.constant 0 : i32
      %cond3A_130 = arith.cmpi ne, %convert_element_type3A_128, %cond3A_129 : i32
      scf.if %cond3A_130 {
        %add3A_139 = arith.constant 4 : i32
        %add3A_140 = arith.addi %mul3A_97, %add3A_139 : i32
        %add3A_141 = arith.constant 2 : i32
        %add3A_142 = arith.addi %add3A_140, %add3A_141 : i32
        %mul3A_143 = arith.constant 128 : i32
        %mul3A_144 = arith.muli %add3A_142, %mul3A_143 : i32
        %add3A_145 = arith.addi %add3A, %mul3A_144 : i32
        %multiple_of3A_146 = tpu.assume_multiple %add3A_145, 8 : i32
        "tpu.region"() ({
          %run_scoped3A = tpu.sem_alloc : memref<!tpu.dma_semaphore, #tpu.memory_space<semaphore_mem>>
          %dma_start3A_147 = tpu.memref_slice %arg4[%multiple_of3A_146] : memref<640000xi32, #tpu.memory_space<hbm>> -> memref<128xi32, #tpu.memory_space<hbm>>
          %dma_start3A_148 = tpu.memref_slice %arg4[%multiple_of3A_146] : memref<640000xi32, #tpu.memory_space<hbm>> -> memref<128xi32, #tpu.memory_space<hbm>>
          tpu.enqueue_dma source(%dma_start3A_148 : memref<128xi32, #tpu.memory_space<hbm>>) target(%arg12 : memref<128xi32, #tpu.memory_space<vmem>>) target_semaphore(%run_scoped3A : memref<!tpu.dma_semaphore, #tpu.memory_space<semaphore_mem>>)
          %dma_wait3A_149 = tpu.memref_slice %arg4[%multiple_of3A_146] : memref<640000xi32, #tpu.memory_space<hbm>> -> memref<128xi32, #tpu.memory_space<hbm>>
          %dma_wait3A_150 = tpu.memref_slice %arg4[%multiple_of3A_146] : memref<640000xi32, #tpu.memory_space<hbm>> -> memref<128xi32, #tpu.memory_space<hbm>>
          tpu.wait_dma2 semaphore(%run_scoped3A : memref<!tpu.dma_semaphore, #tpu.memory_space<semaphore_mem>>) src(%dma_wait3A_150 : memref<128xi32, #tpu.memory_space<hbm>>) dst(%arg12 : memref<128xi32, #tpu.memory_space<vmem>>)
          tpu.yield
        }) : () -> ()
      } else {
      }
      %dma_wait3A_131 = arith.constant 0 : i32
      %dma_wait3A_132 = arith.constant 0 : i32
      %dma_wait3A_133 = tpu.memref_slice %arg9[%dma_wait3A_131, %dma_wait3A_132] : memref<10240x128xf32, #tpu.memory_space<vmem_shared>> -> memref<10240x128xf32, #tpu.memory_space<vmem_shared>>
      tpu.wait_indirect_dma semaphore(%arg24 : memref<!tpu.dma_semaphore, #tpu.memory_space<semaphore_mem>>) src(%arg18 : memref<128x128xf32, #tpu.memory_space<vmem>>) dst(%dma_wait3A_133 : memref<10240x128xf32, #tpu.memory_space<vmem_shared>>)
      %lt3A_134 = arith.constant 38 : i32
      %lt3A_135 = arith.cmpi slt, %add3A_95, %lt3A_134 : i32
      %convert_element_type3A_136 = arith.extui %lt3A_135 : i1 to i32
      %cond3A_137 = arith.constant 0 : i32
      %cond3A_138 = arith.cmpi ne, %convert_element_type3A_136, %cond3A_137 : i32
      scf.if %cond3A_138 {
        %add3A_139 = arith.constant 4 : i32
        %add3A_140 = arith.addi %mul3A_97, %add3A_139 : i32
        %add3A_141 = arith.constant 3 : i32
        %add3A_142 = arith.addi %add3A_140, %add3A_141 : i32
        %mul3A_143 = arith.constant 128 : i32
        %mul3A_144 = arith.muli %add3A_142, %mul3A_143 : i32
        %add3A_145 = arith.addi %add3A, %mul3A_144 : i32
        %multiple_of3A_146 = tpu.assume_multiple %add3A_145, 8 : i32
        "tpu.region"() ({
          %run_scoped3A = tpu.sem_alloc : memref<!tpu.dma_semaphore, #tpu.memory_space<semaphore_mem>>
          %dma_start3A_147 = tpu.memref_slice %arg4[%multiple_of3A_146] : memref<640000xi32, #tpu.memory_space<hbm>> -> memref<128xi32, #tpu.memory_space<hbm>>
          %dma_start3A_148 = tpu.memref_slice %arg4[%multiple_of3A_146] : memref<640000xi32, #tpu.memory_space<hbm>> -> memref<128xi32, #tpu.memory_space<hbm>>
          tpu.enqueue_dma source(%dma_start3A_148 : memref<128xi32, #tpu.memory_space<hbm>>) target(%arg13 : memref<128xi32, #tpu.memory_space<vmem>>) target_semaphore(%run_scoped3A : memref<!tpu.dma_semaphore, #tpu.memory_space<semaphore_mem>>)
          %dma_wait3A_149 = tpu.memref_slice %arg4[%multiple_of3A_146] : memref<640000xi32, #tpu.memory_space<hbm>> -> memref<128xi32, #tpu.memory_space<hbm>>
          %dma_wait3A_150 = tpu.memref_slice %arg4[%multiple_of3A_146] : memref<640000xi32, #tpu.memory_space<hbm>> -> memref<128xi32, #tpu.memory_space<hbm>>
          tpu.wait_dma2 semaphore(%run_scoped3A : memref<!tpu.dma_semaphore, #tpu.memory_space<semaphore_mem>>) src(%dma_wait3A_150 : memref<128xi32, #tpu.memory_space<hbm>>) dst(%arg13 : memref<128xi32, #tpu.memory_space<vmem>>)
          tpu.yield
        }) : () -> ()
      } else {
      }
    }
    %scan3A_79 = arith.constant 39 : i32
    "tpu.region"() ({
      %run_scoped3A = tpu.sem_alloc : memref<!tpu.dma_semaphore, #tpu.memory_space<semaphore_mem>>
      %dma_start3A_91 = tpu.memref_slice %arg4[%multiple_of3A] : memref<640000xi32, #tpu.memory_space<hbm>> -> memref<32xi32, #tpu.memory_space<hbm>>
      %dma_start3A_92 = tpu.memref_slice %arg4[%multiple_of3A] : memref<640000xi32, #tpu.memory_space<hbm>> -> memref<32xi32, #tpu.memory_space<hbm>>
      tpu.enqueue_dma source(%dma_start3A_92 : memref<32xi32, #tpu.memory_space<hbm>>) target(%arg14 : memref<32xi32, #tpu.memory_space<vmem>>) target_semaphore(%run_scoped3A : memref<!tpu.dma_semaphore, #tpu.memory_space<semaphore_mem>>)
      %dma_wait3A_93 = tpu.memref_slice %arg4[%multiple_of3A] : memref<640000xi32, #tpu.memory_space<hbm>> -> memref<32xi32, #tpu.memory_space<hbm>>
      %dma_wait3A_94 = tpu.memref_slice %arg4[%multiple_of3A] : memref<640000xi32, #tpu.memory_space<hbm>> -> memref<32xi32, #tpu.memory_space<hbm>>
      tpu.wait_dma2 semaphore(%run_scoped3A : memref<!tpu.dma_semaphore, #tpu.memory_space<semaphore_mem>>) src(%dma_wait3A_94 : memref<32xi32, #tpu.memory_space<hbm>>) dst(%arg14 : memref<32xi32, #tpu.memory_space<vmem>>)
      tpu.yield
    }) : () -> ()
    "tpu.region"() ({
      %run_scoped3A = tpu.sem_alloc : memref<!tpu.dma_semaphore, #tpu.memory_space<semaphore_mem>>
      %dma_start3A_91 = arith.constant 0 : i32
      %dma_start3A_92 = arith.constant 0 : i32
      %dma_start3A_93 = tpu.memref_slice %arg6[%dma_start3A_91, %dma_start3A_92] : memref<128x128xf32, #tpu.memory_space<hbm>> -> memref<32x128xf32, #tpu.memory_space<hbm>>
      %dma_start3A_94 = arith.constant 0 : i32
      %dma_start3A_95 = arith.constant 0 : i32
      %dma_start3A_96 = tpu.memref_slice %arg6[%dma_start3A_94, %dma_start3A_95] : memref<128x128xf32, #tpu.memory_space<hbm>> -> memref<32x128xf32, #tpu.memory_space<hbm>>
      tpu.enqueue_dma source(%dma_start3A_96 : memref<32x128xf32, #tpu.memory_space<hbm>>) target(%arg20 : memref<32x128xf32, #tpu.memory_space<vmem>>) target_semaphore(%run_scoped3A : memref<!tpu.dma_semaphore, #tpu.memory_space<semaphore_mem>>)
      %dma_wait3A_97 = arith.constant 0 : i32
      %dma_wait3A_98 = arith.constant 0 : i32
      %dma_wait3A_99 = tpu.memref_slice %arg6[%dma_wait3A_97, %dma_wait3A_98] : memref<128x128xf32, #tpu.memory_space<hbm>> -> memref<32x128xf32, #tpu.memory_space<hbm>>
      %dma_wait3A_100 = arith.constant 0 : i32
      %dma_wait3A_101 = arith.constant 0 : i32
      %dma_wait3A_102 = tpu.memref_slice %arg6[%dma_wait3A_100, %dma_wait3A_101] : memref<128x128xf32, #tpu.memory_space<hbm>> -> memref<32x128xf32, #tpu.memory_space<hbm>>
      tpu.wait_dma2 semaphore(%run_scoped3A : memref<!tpu.dma_semaphore, #tpu.memory_space<semaphore_mem>>) src(%dma_wait3A_102 : memref<32x128xf32, #tpu.memory_space<hbm>>) dst(%arg20 : memref<32x128xf32, #tpu.memory_space<vmem>>)
      tpu.yield
    }) : () -> ()
    "tpu.region"() ({
      %run_scoped3A = tpu.sem_alloc : memref<!tpu.dma_semaphore, #tpu.memory_space<semaphore_mem>>
      %dma_start3A_91 = arith.constant 0 : i32
      %dma_start3A_92 = arith.constant 0 : i32
      %dma_start3A_93 = tpu.memref_slice %arg9[%dma_start3A_91, %dma_start3A_92] : memref<10240x128xf32, #tpu.memory_space<vmem_shared>> -> memref<10240x128xf32, #tpu.memory_space<vmem_shared>>
      tpu.enqueue_indirect_dma source(%arg20 : memref<32x128xf32, #tpu.memory_space<vmem>>) target(%dma_start3A_93 : memref<10240x128xf32, #tpu.memory_space<vmem_shared>>) offsets(%arg14 : memref<32xi32, #tpu.memory_space<vmem>>) semaphore(%run_scoped3A : memref<!tpu.dma_semaphore, #tpu.memory_space<semaphore_mem>>) {add = true}
      %dma_wait3A_94 = arith.constant 0 : i32
      %dma_wait3A_95 = arith.constant 0 : i32
      %dma_wait3A_96 = tpu.memref_slice %arg9[%dma_wait3A_94, %dma_wait3A_95] : memref<10240x128xf32, #tpu.memory_space<vmem_shared>> -> memref<10240x128xf32, #tpu.memory_space<vmem_shared>>
      tpu.wait_indirect_dma semaphore(%run_scoped3A : memref<!tpu.dma_semaphore, #tpu.memory_space<semaphore_mem>>) src(%arg20 : memref<32x128xf32, #tpu.memory_space<vmem>>) dst(%dma_wait3A_96 : memref<10240x128xf32, #tpu.memory_space<vmem_shared>>)
      tpu.yield
    }) : () -> ()
    %barrier3A_80 = arith.constant 0 : index
    tpu.barrier barrier_id(%barrier3A_80)
    %add3A_81 = arith.constant 0 : i32
    %add3A_82 = arith.addi %mul3A_0, %add3A_81 : i32
    "tpu.region"() ({
      %run_scoped3A = tpu.sem_alloc : memref<!tpu.dma_semaphore, #tpu.memory_space<semaphore_mem>>
      %dma_start3A_91 = arith.constant 0 : i32
      %dma_start3A_92 = tpu.memref_slice %arg9[%add3A_82, %dma_start3A_91] : memref<10240x128xf32, #tpu.memory_space<vmem_shared>> -> memref<128x128xf32, #tpu.memory_space<vmem_shared>>
      %dma_start3A_93 = arith.constant 0 : i32
      %dma_start3A_94 = tpu.memref_slice %arg9[%add3A_82, %dma_start3A_93] : memref<10240x128xf32, #tpu.memory_space<vmem_shared>> -> memref<128x128xf32, #tpu.memory_space<vmem_shared>>
      tpu.enqueue_dma source(%dma_start3A_94 : memref<128x128xf32, #tpu.memory_space<vmem_shared>>) target(%arg18 : memref<128x128xf32, #tpu.memory_space<vmem>>) target_semaphore(%run_scoped3A : memref<!tpu.dma_semaphore, #tpu.memory_space<semaphore_mem>>)
      %dma_wait3A_95 = arith.constant 0 : i32
      %dma_wait3A_96 = tpu.memref_slice %arg9[%add3A_82, %dma_wait3A_95] : memref<10240x128xf32, #tpu.memory_space<vmem_shared>> -> memref<128x128xf32, #tpu.memory_space<vmem_shared>>
      %dma_wait3A_97 = arith.constant 0 : i32
      %dma_wait3A_98 = tpu.memref_slice %arg9[%add3A_82, %dma_wait3A_97] : memref<10240x128xf32, #tpu.memory_space<vmem_shared>> -> memref<128x128xf32, #tpu.memory_space<vmem_shared>>
      tpu.wait_dma2 semaphore(%run_scoped3A : memref<!tpu.dma_semaphore, #tpu.memory_space<semaphore_mem>>) src(%dma_wait3A_98 : memref<128x128xf32, #tpu.memory_space<vmem_shared>>) dst(%arg18 : memref<128x128xf32, #tpu.memory_space<vmem>>)
      tpu.yield
    }) : () -> ()
    "tpu.region"() ({
      %run_scoped3A = tpu.sem_alloc : memref<!tpu.dma_semaphore, #tpu.memory_space<semaphore_mem>>
      %dma_start3A_91 = arith.constant 0 : i32
      %dma_start3A_92 = tpu.memref_slice %arg8[%arg0, %add3A_82, %dma_start3A_91] : memref<2x10240x128xf32, #tpu.memory_space<hbm>> -> memref<1x128x128xf32, #tpu.memory_space<hbm>>
      %dma_start3A_93 = tpu.memref_squeeze %dma_start3A_92 : memref<1x128x128xf32, #tpu.memory_space<hbm>> -> memref<128x128xf32, #tpu.memory_space<hbm>>
      %dma_start3A_94 = arith.constant 0 : i32
      %dma_start3A_95 = tpu.memref_slice %arg8[%arg0, %add3A_82, %dma_start3A_94] : memref<2x10240x128xf32, #tpu.memory_space<hbm>> -> memref<1x128x128xf32, #tpu.memory_space<hbm>>
      %dma_start3A_96 = tpu.memref_squeeze %dma_start3A_95 : memref<1x128x128xf32, #tpu.memory_space<hbm>> -> memref<128x128xf32, #tpu.memory_space<hbm>>
      tpu.enqueue_dma source(%arg18 : memref<128x128xf32, #tpu.memory_space<vmem>>) target(%dma_start3A_96 : memref<128x128xf32, #tpu.memory_space<hbm>>) target_semaphore(%run_scoped3A : memref<!tpu.dma_semaphore, #tpu.memory_space<semaphore_mem>>)
      %dma_wait3A_97 = arith.constant 0 : i32
      %dma_wait3A_98 = tpu.memref_slice %arg8[%arg0, %add3A_82, %dma_wait3A_97] : memref<2x10240x128xf32, #tpu.memory_space<hbm>> -> memref<1x128x128xf32, #tpu.memory_space<hbm>>
      %dma_wait3A_99 = tpu.memref_squeeze %dma_wait3A_98 : memref<1x128x128xf32, #tpu.memory_space<hbm>> -> memref<128x128xf32, #tpu.memory_space<hbm>>
      %dma_wait3A_100 = arith.constant 0 : i32
      %dma_wait3A_101 = tpu.memref_slice %arg8[%arg0, %add3A_82, %dma_wait3A_100] : memref<2x10240x128xf32, #tpu.memory_space<hbm>> -> memref<1x128x128xf32, #tpu.memory_space<hbm>>
      %dma_wait3A_102 = tpu.memref_squeeze %dma_wait3A_101 : memref<1x128x128xf32, #tpu.memory_space<hbm>> -> memref<128x128xf32, #tpu.memory_space<hbm>>
      tpu.wait_dma2 semaphore(%run_scoped3A : memref<!tpu.dma_semaphore, #tpu.memory_space<semaphore_mem>>) src(%arg18 : memref<128x128xf32, #tpu.memory_space<vmem>>) dst(%dma_wait3A_102 : memref<128x128xf32, #tpu.memory_space<hbm>>)
      tpu.yield
    }) : () -> ()
    %add3A_83 = arith.constant 128 : i32
    %add3A_84 = arith.addi %mul3A_0, %add3A_83 : i32
    "tpu.region"() ({
      %run_scoped3A = tpu.sem_alloc : memref<!tpu.dma_semaphore, #tpu.memory_space<semaphore_mem>>
      %dma_start3A_91 = arith.constant 0 : i32
      %dma_start3A_92 = tpu.memref_slice %arg9[%add3A_84, %dma_start3A_91] : memref<10240x128xf32, #tpu.memory_space<vmem_shared>> -> memref<128x128xf32, #tpu.memory_space<vmem_shared>>
      %dma_start3A_93 = arith.constant 0 : i32
      %dma_start3A_94 = tpu.memref_slice %arg9[%add3A_84, %dma_start3A_93] : memref<10240x128xf32, #tpu.memory_space<vmem_shared>> -> memref<128x128xf32, #tpu.memory_space<vmem_shared>>
      tpu.enqueue_dma source(%dma_start3A_94 : memref<128x128xf32, #tpu.memory_space<vmem_shared>>) target(%arg18 : memref<128x128xf32, #tpu.memory_space<vmem>>) target_semaphore(%run_scoped3A : memref<!tpu.dma_semaphore, #tpu.memory_space<semaphore_mem>>)
      %dma_wait3A_95 = arith.constant 0 : i32
      %dma_wait3A_96 = tpu.memref_slice %arg9[%add3A_84, %dma_wait3A_95] : memref<10240x128xf32, #tpu.memory_space<vmem_shared>> -> memref<128x128xf32, #tpu.memory_space<vmem_shared>>
      %dma_wait3A_97 = arith.constant 0 : i32
      %dma_wait3A_98 = tpu.memref_slice %arg9[%add3A_84, %dma_wait3A_97] : memref<10240x128xf32, #tpu.memory_space<vmem_shared>> -> memref<128x128xf32, #tpu.memory_space<vmem_shared>>
      tpu.wait_dma2 semaphore(%run_scoped3A : memref<!tpu.dma_semaphore, #tpu.memory_space<semaphore_mem>>) src(%dma_wait3A_98 : memref<128x128xf32, #tpu.memory_space<vmem_shared>>) dst(%arg18 : memref<128x128xf32, #tpu.memory_space<vmem>>)
      tpu.yield
    }) : () -> ()
    "tpu.region"() ({
      %run_scoped3A = tpu.sem_alloc : memref<!tpu.dma_semaphore, #tpu.memory_space<semaphore_mem>>
      %dma_start3A_91 = arith.constant 0 : i32
      %dma_start3A_92 = tpu.memref_slice %arg8[%arg0, %add3A_84, %dma_start3A_91] : memref<2x10240x128xf32, #tpu.memory_space<hbm>> -> memref<1x128x128xf32, #tpu.memory_space<hbm>>
      %dma_start3A_93 = tpu.memref_squeeze %dma_start3A_92 : memref<1x128x128xf32, #tpu.memory_space<hbm>> -> memref<128x128xf32, #tpu.memory_space<hbm>>
      %dma_start3A_94 = arith.constant 0 : i32
      %dma_start3A_95 = tpu.memref_slice %arg8[%arg0, %add3A_84, %dma_start3A_94] : memref<2x10240x128xf32, #tpu.memory_space<hbm>> -> memref<1x128x128xf32, #tpu.memory_space<hbm>>
      %dma_start3A_96 = tpu.memref_squeeze %dma_start3A_95 : memref<1x128x128xf32, #tpu.memory_space<hbm>> -> memref<128x128xf32, #tpu.memory_space<hbm>>
      tpu.enqueue_dma source(%arg18 : memref<128x128xf32, #tpu.memory_space<vmem>>) target(%dma_start3A_96 : memref<128x128xf32, #tpu.memory_space<hbm>>) target_semaphore(%run_scoped3A : memref<!tpu.dma_semaphore, #tpu.memory_space<semaphore_mem>>)
      %dma_wait3A_97 = arith.constant 0 : i32
      %dma_wait3A_98 = tpu.memref_slice %arg8[%arg0, %add3A_84, %dma_wait3A_97] : memref<2x10240x128xf32, #tpu.memory_space<hbm>> -> memref<1x128x128xf32, #tpu.memory_space<hbm>>
      %dma_wait3A_99 = tpu.memref_squeeze %dma_wait3A_98 : memref<1x128x128xf32, #tpu.memory_space<hbm>> -> memref<128x128xf32, #tpu.memory_space<hbm>>
      %dma_wait3A_100 = arith.constant 0 : i32
      %dma_wait3A_101 = tpu.memref_slice %arg8[%arg0, %add3A_84, %dma_wait3A_100] : memref<2x10240x128xf32, #tpu.memory_space<hbm>> -> memref<1x128x128xf32, #tpu.memory_space<hbm>>
      %dma_wait3A_102 = tpu.memref_squeeze %dma_wait3A_101 : memref<1x128x128xf32, #tpu.memory_space<hbm>> -> memref<128x128xf32, #tpu.memory_space<hbm>>
      tpu.wait_dma2 semaphore(%run_scoped3A : memref<!tpu.dma_semaphore, #tpu.memory_space<semaphore_mem>>) src(%arg18 : memref<128x128xf32, #tpu.memory_space<vmem>>) dst(%dma_wait3A_102 : memref<128x128xf32, #tpu.memory_space<hbm>>)
      tpu.yield
    }) : () -> ()
    %add3A_85 = arith.constant 256 : i32
    %add3A_86 = arith.addi %mul3A_0, %add3A_85 : i32
    "tpu.region"() ({
      %run_scoped3A = tpu.sem_alloc : memref<!tpu.dma_semaphore, #tpu.memory_space<semaphore_mem>>
      %dma_start3A_91 = arith.constant 0 : i32
      %dma_start3A_92 = tpu.memref_slice %arg9[%add3A_86, %dma_start3A_91] : memref<10240x128xf32, #tpu.memory_space<vmem_shared>> -> memref<128x128xf32, #tpu.memory_space<vmem_shared>>
      %dma_start3A_93 = arith.constant 0 : i32
      %dma_start3A_94 = tpu.memref_slice %arg9[%add3A_86, %dma_start3A_93] : memref<10240x128xf32, #tpu.memory_space<vmem_shared>> -> memref<128x128xf32, #tpu.memory_space<vmem_shared>>
      tpu.enqueue_dma source(%dma_start3A_94 : memref<128x128xf32, #tpu.memory_space<vmem_shared>>) target(%arg18 : memref<128x128xf32, #tpu.memory_space<vmem>>) target_semaphore(%run_scoped3A : memref<!tpu.dma_semaphore, #tpu.memory_space<semaphore_mem>>)
      %dma_wait3A_95 = arith.constant 0 : i32
      %dma_wait3A_96 = tpu.memref_slice %arg9[%add3A_86, %dma_wait3A_95] : memref<10240x128xf32, #tpu.memory_space<vmem_shared>> -> memref<128x128xf32, #tpu.memory_space<vmem_shared>>
      %dma_wait3A_97 = arith.constant 0 : i32
      %dma_wait3A_98 = tpu.memref_slice %arg9[%add3A_86, %dma_wait3A_97] : memref<10240x128xf32, #tpu.memory_space<vmem_shared>> -> memref<128x128xf32, #tpu.memory_space<vmem_shared>>
      tpu.wait_dma2 semaphore(%run_scoped3A : memref<!tpu.dma_semaphore, #tpu.memory_space<semaphore_mem>>) src(%dma_wait3A_98 : memref<128x128xf32, #tpu.memory_space<vmem_shared>>) dst(%arg18 : memref<128x128xf32, #tpu.memory_space<vmem>>)
      tpu.yield
    }) : () -> ()
    "tpu.region"() ({
      %run_scoped3A = tpu.sem_alloc : memref<!tpu.dma_semaphore, #tpu.memory_space<semaphore_mem>>
      %dma_start3A_91 = arith.constant 0 : i32
      %dma_start3A_92 = tpu.memref_slice %arg8[%arg0, %add3A_86, %dma_start3A_91] : memref<2x10240x128xf32, #tpu.memory_space<hbm>> -> memref<1x128x128xf32, #tpu.memory_space<hbm>>
      %dma_start3A_93 = tpu.memref_squeeze %dma_start3A_92 : memref<1x128x128xf32, #tpu.memory_space<hbm>> -> memref<128x128xf32, #tpu.memory_space<hbm>>
      %dma_start3A_94 = arith.constant 0 : i32
      %dma_start3A_95 = tpu.memref_slice %arg8[%arg0, %add3A_86, %dma_start3A_94] : memref<2x10240x128xf32, #tpu.memory_space<hbm>> -> memref<1x128x128xf32, #tpu.memory_space<hbm>>
      %dma_start3A_96 = tpu.memref_squeeze %dma_start3A_95 : memref<1x128x128xf32, #tpu.memory_space<hbm>> -> memref<128x128xf32, #tpu.memory_space<hbm>>
      tpu.enqueue_dma source(%arg18 : memref<128x128xf32, #tpu.memory_space<vmem>>) target(%dma_start3A_96 : memref<128x128xf32, #tpu.memory_space<hbm>>) target_semaphore(%run_scoped3A : memref<!tpu.dma_semaphore, #tpu.memory_space<semaphore_mem>>)
      %dma_wait3A_97 = arith.constant 0 : i32
      %dma_wait3A_98 = tpu.memref_slice %arg8[%arg0, %add3A_86, %dma_wait3A_97] : memref<2x10240x128xf32, #tpu.memory_space<hbm>> -> memref<1x128x128xf32, #tpu.memory_space<hbm>>
      %dma_wait3A_99 = tpu.memref_squeeze %dma_wait3A_98 : memref<1x128x128xf32, #tpu.memory_space<hbm>> -> memref<128x128xf32, #tpu.memory_space<hbm>>
      %dma_wait3A_100 = arith.constant 0 : i32
      %dma_wait3A_101 = tpu.memref_slice %arg8[%arg0, %add3A_86, %dma_wait3A_100] : memref<2x10240x128xf32, #tpu.memory_space<hbm>> -> memref<1x128x128xf32, #tpu.memory_space<hbm>>
      %dma_wait3A_102 = tpu.memref_squeeze %dma_wait3A_101 : memref<1x128x128xf32, #tpu.memory_space<hbm>> -> memref<128x128xf32, #tpu.memory_space<hbm>>
      tpu.wait_dma2 semaphore(%run_scoped3A : memref<!tpu.dma_semaphore, #tpu.memory_space<semaphore_mem>>) src(%arg18 : memref<128x128xf32, #tpu.memory_space<vmem>>) dst(%dma_wait3A_102 : memref<128x128xf32, #tpu.memory_space<hbm>>)
      tpu.yield
    }) : () -> ()
    %add3A_87 = arith.constant 384 : i32
    %add3A_88 = arith.addi %mul3A_0, %add3A_87 : i32
    "tpu.region"() ({
      %run_scoped3A = tpu.sem_alloc : memref<!tpu.dma_semaphore, #tpu.memory_space<semaphore_mem>>
      %dma_start3A_91 = arith.constant 0 : i32
      %dma_start3A_92 = tpu.memref_slice %arg9[%add3A_88, %dma_start3A_91] : memref<10240x128xf32, #tpu.memory_space<vmem_shared>> -> memref<128x128xf32, #tpu.memory_space<vmem_shared>>
      %dma_start3A_93 = arith.constant 0 : i32
      %dma_start3A_94 = tpu.memref_slice %arg9[%add3A_88, %dma_start3A_93] : memref<10240x128xf32, #tpu.memory_space<vmem_shared>> -> memref<128x128xf32, #tpu.memory_space<vmem_shared>>
      tpu.enqueue_dma source(%dma_start3A_94 : memref<128x128xf32, #tpu.memory_space<vmem_shared>>) target(%arg18 : memref<128x128xf32, #tpu.memory_space<vmem>>) target_semaphore(%run_scoped3A : memref<!tpu.dma_semaphore, #tpu.memory_space<semaphore_mem>>)
      %dma_wait3A_95 = arith.constant 0 : i32
      %dma_wait3A_96 = tpu.memref_slice %arg9[%add3A_88, %dma_wait3A_95] : memref<10240x128xf32, #tpu.memory_space<vmem_shared>> -> memref<128x128xf32, #tpu.memory_space<vmem_shared>>
      %dma_wait3A_97 = arith.constant 0 : i32
      %dma_wait3A_98 = tpu.memref_slice %arg9[%add3A_88, %dma_wait3A_97] : memref<10240x128xf32, #tpu.memory_space<vmem_shared>> -> memref<128x128xf32, #tpu.memory_space<vmem_shared>>
      tpu.wait_dma2 semaphore(%run_scoped3A : memref<!tpu.dma_semaphore, #tpu.memory_space<semaphore_mem>>) src(%dma_wait3A_98 : memref<128x128xf32, #tpu.memory_space<vmem_shared>>) dst(%arg18 : memref<128x128xf32, #tpu.memory_space<vmem>>)
      tpu.yield
    }) : () -> ()
    "tpu.region"() ({
      %run_scoped3A = tpu.sem_alloc : memref<!tpu.dma_semaphore, #tpu.memory_space<semaphore_mem>>
      %dma_start3A_91 = arith.constant 0 : i32
      %dma_start3A_92 = tpu.memref_slice %arg8[%arg0, %add3A_88, %dma_start3A_91] : memref<2x10240x128xf32, #tpu.memory_space<hbm>> -> memref<1x128x128xf32, #tpu.memory_space<hbm>>
      %dma_start3A_93 = tpu.memref_squeeze %dma_start3A_92 : memref<1x128x128xf32, #tpu.memory_space<hbm>> -> memref<128x128xf32, #tpu.memory_space<hbm>>
      %dma_start3A_94 = arith.constant 0 : i32
      %dma_start3A_95 = tpu.memref_slice %arg8[%arg0, %add3A_88, %dma_start3A_94] : memref<2x10240x128xf32, #tpu.memory_space<hbm>> -> memref<1x128x128xf32, #tpu.memory_space<hbm>>
      %dma_start3A_96 = tpu.memref_squeeze %dma_start3A_95 : memref<1x128x128xf32, #tpu.memory_space<hbm>> -> memref<128x128xf32, #tpu.memory_space<hbm>>
      tpu.enqueue_dma source(%arg18 : memref<128x128xf32, #tpu.memory_space<vmem>>) target(%dma_start3A_96 : memref<128x128xf32, #tpu.memory_space<hbm>>) target_semaphore(%run_scoped3A : memref<!tpu.dma_semaphore, #tpu.memory_space<semaphore_mem>>)
      %dma_wait3A_97 = arith.constant 0 : i32
      %dma_wait3A_98 = tpu.memref_slice %arg8[%arg0, %add3A_88, %dma_wait3A_97] : memref<2x10240x128xf32, #tpu.memory_space<hbm>> -> memref<1x128x128xf32, #tpu.memory_space<hbm>>
      %dma_wait3A_99 = tpu.memref_squeeze %dma_wait3A_98 : memref<1x128x128xf32, #tpu.memory_space<hbm>> -> memref<128x128xf32, #tpu.memory_space<hbm>>
      %dma_wait3A_100 = arith.constant 0 : i32
      %dma_wait3A_101 = tpu.memref_slice %arg8[%arg0, %add3A_88, %dma_wait3A_100] : memref<2x10240x128xf32, #tpu.memory_space<hbm>> -> memref<1x128x128xf32, #tpu.memory_space<hbm>>
      %dma_wait3A_102 = tpu.memref_squeeze %dma_wait3A_101 : memref<1x128x128xf32, #tpu.memory_space<hbm>> -> memref<128x128xf32, #tpu.memory_space<hbm>>
      tpu.wait_dma2 semaphore(%run_scoped3A : memref<!tpu.dma_semaphore, #tpu.memory_space<semaphore_mem>>) src(%arg18 : memref<128x128xf32, #tpu.memory_space<vmem>>) dst(%dma_wait3A_102 : memref<128x128xf32, #tpu.memory_space<hbm>>)
      tpu.yield
    }) : () -> ()
    %add3A_89 = arith.constant 512 : i32
    %add3A_90 = arith.addi %mul3A_0, %add3A_89 : i32
    "tpu.region"() ({
      %run_scoped3A = tpu.sem_alloc : memref<!tpu.dma_semaphore, #tpu.memory_space<semaphore_mem>>
      %dma_start3A_91 = arith.constant 0 : i32
      %dma_start3A_92 = tpu.memref_slice %arg9[%add3A_90, %dma_start3A_91] : memref<10240x128xf32, #tpu.memory_space<vmem_shared>> -> memref<128x128xf32, #tpu.memory_space<vmem_shared>>
      %dma_start3A_93 = arith.constant 0 : i32
      %dma_start3A_94 = tpu.memref_slice %arg9[%add3A_90, %dma_start3A_93] : memref<10240x128xf32, #tpu.memory_space<vmem_shared>> -> memref<128x128xf32, #tpu.memory_space<vmem_shared>>
      tpu.enqueue_dma source(%dma_start3A_94 : memref<128x128xf32, #tpu.memory_space<vmem_shared>>) target(%arg18 : memref<128x128xf32, #tpu.memory_space<vmem>>) target_semaphore(%run_scoped3A : memref<!tpu.dma_semaphore, #tpu.memory_space<semaphore_mem>>)
      %dma_wait3A_95 = arith.constant 0 : i32
      %dma_wait3A_96 = tpu.memref_slice %arg9[%add3A_90, %dma_wait3A_95] : memref<10240x128xf32, #tpu.memory_space<vmem_shared>> -> memref<128x128xf32, #tpu.memory_space<vmem_shared>>
      %dma_wait3A_97 = arith.constant 0 : i32
      %dma_wait3A_98 = tpu.memref_slice %arg9[%add3A_90, %dma_wait3A_97] : memref<10240x128xf32, #tpu.memory_space<vmem_shared>> -> memref<128x128xf32, #tpu.memory_space<vmem_shared>>
      tpu.wait_dma2 semaphore(%run_scoped3A : memref<!tpu.dma_semaphore, #tpu.memory_space<semaphore_mem>>) src(%dma_wait3A_98 : memref<128x128xf32, #tpu.memory_space<vmem_shared>>) dst(%arg18 : memref<128x128xf32, #tpu.memory_space<vmem>>)
      tpu.yield
    }) : () -> ()
    "tpu.region"() ({
      %run_scoped3A = tpu.sem_alloc : memref<!tpu.dma_semaphore, #tpu.memory_space<semaphore_mem>>
      %dma_start3A_91 = arith.constant 0 : i32
      %dma_start3A_92 = tpu.memref_slice %arg8[%arg0, %add3A_90, %dma_start3A_91] : memref<2x10240x128xf32, #tpu.memory_space<hbm>> -> memref<1x128x128xf32, #tpu.memory_space<hbm>>
      %dma_start3A_93 = tpu.memref_squeeze %dma_start3A_92 : memref<1x128x128xf32, #tpu.memory_space<hbm>> -> memref<128x128xf32, #tpu.memory_space<hbm>>
      %dma_start3A_94 = arith.constant 0 : i32
      %dma_start3A_95 = tpu.memref_slice %arg8[%arg0, %add3A_90, %dma_start3A_94] : memref<2x10240x128xf32, #tpu.memory_space<hbm>> -> memref<1x128x128xf32, #tpu.memory_space<hbm>>
      %dma_start3A_96 = tpu.memref_squeeze %dma_start3A_95 : memref<1x128x128xf32, #tpu.memory_space<hbm>> -> memref<128x128xf32, #tpu.memory_space<hbm>>
      tpu.enqueue_dma source(%arg18 : memref<128x128xf32, #tpu.memory_space<vmem>>) target(%dma_start3A_96 : memref<128x128xf32, #tpu.memory_space<hbm>>) target_semaphore(%run_scoped3A : memref<!tpu.dma_semaphore, #tpu.memory_space<semaphore_mem>>)
      %dma_wait3A_97 = arith.constant 0 : i32
      %dma_wait3A_98 = tpu.memref_slice %arg8[%arg0, %add3A_90, %dma_wait3A_97] : memref<2x10240x128xf32, #tpu.memory_space<hbm>> -> memref<1x128x128xf32, #tpu.memory_space<hbm>>
      %dma_wait3A_99 = tpu.memref_squeeze %dma_wait3A_98 : memref<1x128x128xf32, #tpu.memory_space<hbm>> -> memref<128x128xf32, #tpu.memory_space<hbm>>
      %dma_wait3A_100 = arith.constant 0 : i32
      %dma_wait3A_101 = tpu.memref_slice %arg8[%arg0, %add3A_90, %dma_wait3A_100] : memref<2x10240x128xf32, #tpu.memory_space<hbm>> -> memref<1x128x128xf32, #tpu.memory_space<hbm>>
      %dma_wait3A_102 = tpu.memref_squeeze %dma_wait3A_101 : memref<1x128x128xf32, #tpu.memory_space<hbm>> -> memref<128x128xf32, #tpu.memory_space<hbm>>
      tpu.wait_dma2 semaphore(%run_scoped3A : memref<!tpu.dma_semaphore, #tpu.memory_space<semaphore_mem>>) src(%arg18 : memref<128x128xf32, #tpu.memory_space<vmem>>) dst(%dma_wait3A_102 : memref<128x128xf32, #tpu.memory_space<hbm>>)
      tpu.yield
    }) : () -> ()
    return
  }
}

module attributes {stable_mosaic.version = 14 : i64} {
  func.func @_dense_body(%arg0: i32, %arg1: memref<2x400x128xf32, #tpu.memory_space<vmem>>, %arg2: memref<2x400x128xf32, #tpu.memory_space<vmem>>, %arg3: memref<128x256xf32, #tpu.memory_space<vmem>>, %arg4: memref<256xf32, #tpu.memory_space<vmem>>, %arg5: memref<512x128xf32, #tpu.memory_space<vmem>>, %arg6: memref<128xf32, #tpu.memory_space<vmem>>, %arg7: memref<128x64xf32, #tpu.memory_space<vmem>>, %arg8: memref<64xf32, #tpu.memory_space<vmem>>, %arg9: memref<64x128xf32, #tpu.memory_space<vmem>>, %arg10: memref<128xf32, #tpu.memory_space<vmem>>, %arg11: memref<400x128xf32, #tpu.memory_space<vmem>>, %arg12: memref<400x64xf32, #tpu.memory_space<vmem>>) attributes {dimension_semantics = [#tpu.dimension_semantics<arbitrary>], iteration_bounds = array<i64: 25>, scalar_prefetch = 0 : i64, scratch_operands = 0 : i64, tpu.core_type = #tpu.core_type<tc>, window_params = [{transform_indices = @transform_0, window_bounds = array<i64: 2, 400, 128>}, {transform_indices = @transform_1, window_bounds = array<i64: 2, 400, 128>}, {pipeline_mode = #tpu.pipeline_mode<synchronous>, transform_indices = @transform_2, window_bounds = array<i64: 128, 256>}, {pipeline_mode = #tpu.pipeline_mode<synchronous>, transform_indices = @transform_3, window_bounds = array<i64: 256>}, {pipeline_mode = #tpu.pipeline_mode<synchronous>, transform_indices = @transform_4, window_bounds = array<i64: 512, 128>}, {pipeline_mode = #tpu.pipeline_mode<synchronous>, transform_indices = @transform_5, window_bounds = array<i64: 128>}, {pipeline_mode = #tpu.pipeline_mode<synchronous>, transform_indices = @transform_6, window_bounds = array<i64: 128, 64>}, {pipeline_mode = #tpu.pipeline_mode<synchronous>, transform_indices = @transform_7, window_bounds = array<i64: 64>}, {pipeline_mode = #tpu.pipeline_mode<synchronous>, transform_indices = @transform_8, window_bounds = array<i64: 64, 128>}, {pipeline_mode = #tpu.pipeline_mode<synchronous>, transform_indices = @transform_9, window_bounds = array<i64: 128>}, {transform_indices = @transform_10, window_bounds = array<i64: 400, 128>}, {transform_indices = @transform_11, window_bounds = array<i64: 400, 64>}]} {
    %get3A = arith.constant 0 : index
    %get3A_0 = arith.constant 0 : index
    %get3A_1 = arith.constant 0 : index
    %get3A_2 = vector.load %arg1[%get3A, %get3A_0, %get3A_1] : memref<2x400x128xf32, #tpu.memory_space<vmem>>, vector<2x400x128xf32>
    %get3A_3 = arith.constant 0 : index
    %get3A_4 = arith.constant 0 : index
    %get3A_5 = arith.constant 0 : index
    %get3A_6 = vector.load %arg2[%get3A_3, %get3A_4, %get3A_5] : memref<2x400x128xf32, #tpu.memory_space<vmem>>, vector<2x400x128xf32>
    %get3A_7 = arith.constant 0 : index
    %get3A_8 = arith.constant 0 : index
    %get3A_9 = vector.load %arg3[%get3A_7, %get3A_8] : memref<128x256xf32, #tpu.memory_space<vmem>>, vector<128x256xf32>
    %get3A_10 = arith.constant 0 : index
    %get3A_11 = vector.load %arg4[%get3A_10] : memref<256xf32, #tpu.memory_space<vmem>>, vector<256xf32>
    %slice3A = vector.extract_strided_slice %get3A_6 {offsets = [0, 0, 0], sizes = [1, 400, 1], strides = [1, 1, 1]} : vector<2x400x128xf32> to vector<1x400x1xf32>
    %squeeze3A = vector.shape_cast %slice3A : vector<1x400x1xf32> to vector<400x1xf32>
    %slice3A_12 = vector.extract_strided_slice %get3A_2 {offsets = [0, 0, 0], sizes = [1, 400, 128], strides = [1, 1, 1]} : vector<2x400x128xf32> to vector<1x400x128xf32>
    %squeeze3A_13 = vector.shape_cast %slice3A_12 : vector<1x400x128xf32> to vector<400x128xf32>
    %max3A = arith.constant 1.000000e+00 : f32
    %max3A_14 = vector.broadcast %max3A : f32 to vector<400x1xf32>
    %max3A_15 = arith.maximumf %squeeze3A, %max3A_14 : vector<400x1xf32>
    %div3A = vector.broadcast %max3A_15 : vector<400x1xf32> to vector<400x128xf32>
    %div3A_16 = arith.divf %squeeze3A_13, %div3A : vector<400x128xf32>
    %dot_general3A = arith.constant dense<0.000000e+00> : vector<400x256xf32>
    %dot_general3A_17 = tpu.matmul %div3A_16, %get3A_9, %dot_general3A {dimension_numbers = #tpu.dot_dimension_numbers<[1], [0], [0], [1], [0, 0, 1, 1], [], []>, transpose_lhs_hint = false} : vector<400x128xf32>, vector<128x256xf32>, vector<400x256xf32> -> vector<400x256xf32>
    %broadcast_in_dim3A = vector.shape_cast %get3A_11 : vector<256xf32> to vector<1x256xf32>
    %gt3A = arith.constant 0.000000e+00 : f32
    %gt3A_18 = vector.broadcast %gt3A : f32 to vector<400x1xf32>
    %gt3A_19 = arith.cmpf ogt, %squeeze3A, %gt3A_18 : vector<400x1xf32>
    %convert_element_type3A = arith.extui %gt3A_19 : vector<400x1xi1> to vector<400x1xi32>
    %convert_element_type3A_20 = arith.sitofp %convert_element_type3A : vector<400x1xi32> to vector<400x1xf32>
    %mul3A = vector.broadcast %broadcast_in_dim3A : vector<1x256xf32> to vector<400x256xf32>
    %mul3A_21 = vector.broadcast %convert_element_type3A_20 : vector<400x1xf32> to vector<400x256xf32>
    %mul3A_22 = arith.mulf %mul3A, %mul3A_21 : vector<400x256xf32>
    %add3A = arith.addf %dot_general3A_17, %mul3A_22 : vector<400x256xf32>
    %gt3A_23 = arith.constant 0.000000e+00 : f32
    %gt3A_24 = vector.broadcast %gt3A_23 : f32 to vector<400x256xf32>
    %gt3A_25 = arith.cmpf ogt, %add3A, %gt3A_24 : vector<400x256xf32>
    %exp3A = math.exp %add3A : vector<400x256xf32>
    %sub3A = arith.constant 1.000000e+00 : f32
    %sub3A_26 = vector.broadcast %sub3A : f32 to vector<400x256xf32>
    %sub3A_27 = arith.subf %exp3A, %sub3A_26 : vector<400x256xf32>
    %select_n3A = arith.select %gt3A_25, %add3A, %sub3A_27 : vector<400x256xi1>, vector<400x256xf32>
    %slice3A_28 = vector.extract_strided_slice %get3A_6 {offsets = [1, 0, 0], sizes = [1, 400, 1], strides = [1, 1, 1]} : vector<2x400x128xf32> to vector<1x400x1xf32>
    %squeeze3A_29 = vector.shape_cast %slice3A_28 : vector<1x400x1xf32> to vector<400x1xf32>
    %slice3A_30 = vector.extract_strided_slice %get3A_2 {offsets = [1, 0, 0], sizes = [1, 400, 128], strides = [1, 1, 1]} : vector<2x400x128xf32> to vector<1x400x128xf32>
    %squeeze3A_31 = vector.shape_cast %slice3A_30 : vector<1x400x128xf32> to vector<400x128xf32>
    %max3A_32 = arith.constant 1.000000e+00 : f32
    %max3A_33 = vector.broadcast %max3A_32 : f32 to vector<400x1xf32>
    %max3A_34 = arith.maximumf %squeeze3A_29, %max3A_33 : vector<400x1xf32>
    %div3A_35 = vector.broadcast %max3A_34 : vector<400x1xf32> to vector<400x128xf32>
    %div3A_36 = arith.divf %squeeze3A_31, %div3A_35 : vector<400x128xf32>
    %dot_general3A_37 = arith.constant dense<0.000000e+00> : vector<400x256xf32>
    %dot_general3A_38 = tpu.matmul %div3A_36, %get3A_9, %dot_general3A_37 {dimension_numbers = #tpu.dot_dimension_numbers<[1], [0], [0], [1], [0, 0, 1, 1], [], []>, transpose_lhs_hint = false} : vector<400x128xf32>, vector<128x256xf32>, vector<400x256xf32> -> vector<400x256xf32>
    %broadcast_in_dim3A_39 = vector.shape_cast %get3A_11 : vector<256xf32> to vector<1x256xf32>
    %gt3A_40 = arith.constant 0.000000e+00 : f32
    %gt3A_41 = vector.broadcast %gt3A_40 : f32 to vector<400x1xf32>
    %gt3A_42 = arith.cmpf ogt, %squeeze3A_29, %gt3A_41 : vector<400x1xf32>
    %convert_element_type3A_43 = arith.extui %gt3A_42 : vector<400x1xi1> to vector<400x1xi32>
    %convert_element_type3A_44 = arith.sitofp %convert_element_type3A_43 : vector<400x1xi32> to vector<400x1xf32>
    %mul3A_45 = vector.broadcast %broadcast_in_dim3A_39 : vector<1x256xf32> to vector<400x256xf32>
    %mul3A_46 = vector.broadcast %convert_element_type3A_44 : vector<400x1xf32> to vector<400x256xf32>
    %mul3A_47 = arith.mulf %mul3A_45, %mul3A_46 : vector<400x256xf32>
    %add3A_48 = arith.addf %dot_general3A_38, %mul3A_47 : vector<400x256xf32>
    %gt3A_49 = arith.constant 0.000000e+00 : f32
    %gt3A_50 = vector.broadcast %gt3A_49 : f32 to vector<400x256xf32>
    %gt3A_51 = arith.cmpf ogt, %add3A_48, %gt3A_50 : vector<400x256xf32>
    %exp3A_52 = math.exp %add3A_48 : vector<400x256xf32>
    %sub3A_53 = arith.constant 1.000000e+00 : f32
    %sub3A_54 = vector.broadcast %sub3A_53 : f32 to vector<400x256xf32>
    %sub3A_55 = arith.subf %exp3A_52, %sub3A_54 : vector<400x256xf32>
    %select_n3A_56 = arith.select %gt3A_51, %add3A_48, %sub3A_55 : vector<400x256xi1>, vector<400x256xf32>
    %get3A_57 = arith.constant 0 : index
    %get3A_58 = arith.constant 0 : index
    %get3A_59 = vector.load %arg5[%get3A_57, %get3A_58] : memref<512x128xf32, #tpu.memory_space<vmem>>, vector<512x128xf32>
    %slice3A_60 = vector.extract_strided_slice %get3A_59 {offsets = [0, 0], sizes = [256, 128], strides = [1, 1]} : vector<512x128xf32> to vector<256x128xf32>
    %dot_general3A_61 = arith.constant dense<0.000000e+00> : vector<400x128xf32>
    %dot_general3A_62 = tpu.matmul %select_n3A, %slice3A_60, %dot_general3A_61 {dimension_numbers = #tpu.dot_dimension_numbers<[1], [0], [0], [1], [0, 0, 1, 1], [], []>, transpose_lhs_hint = false} : vector<400x256xf32>, vector<256x128xf32>, vector<400x128xf32> -> vector<400x128xf32>
    %slice3A_63 = vector.extract_strided_slice %get3A_59 {offsets = [256, 0], sizes = [256, 128], strides = [1, 1]} : vector<512x128xf32> to vector<256x128xf32>
    %dot_general3A_64 = arith.constant dense<0.000000e+00> : vector<400x128xf32>
    %dot_general3A_65 = tpu.matmul %select_n3A_56, %slice3A_63, %dot_general3A_64 {dimension_numbers = #tpu.dot_dimension_numbers<[1], [0], [0], [1], [0, 0, 1, 1], [], []>, transpose_lhs_hint = false} : vector<400x256xf32>, vector<256x128xf32>, vector<400x128xf32> -> vector<400x128xf32>
    %add3A_66 = arith.addf %dot_general3A_62, %dot_general3A_65 : vector<400x128xf32>
    %get3A_67 = arith.constant 0 : index
    %get3A_68 = vector.load %arg6[%get3A_67] : memref<128xf32, #tpu.memory_space<vmem>>, vector<128xf32>
    %broadcast_in_dim3A_69 = vector.shape_cast %get3A_68 : vector<128xf32> to vector<1x128xf32>
    %add3A_70 = vector.broadcast %broadcast_in_dim3A_69 : vector<1x128xf32> to vector<400x128xf32>
    %add3A_71 = arith.addf %add3A_66, %add3A_70 : vector<400x128xf32>
    %max3A_72 = arith.constant 0.000000e+00 : f32
    %max3A_73 = vector.broadcast %max3A_72 : f32 to vector<400x128xf32>
    %max3A_74 = arith.maximumf %add3A_71, %max3A_73 : vector<400x128xf32>
    %get3A_75 = arith.constant 0 : index
    %get3A_76 = arith.constant 0 : index
    %get3A_77 = vector.load %arg7[%get3A_75, %get3A_76] : memref<128x64xf32, #tpu.memory_space<vmem>>, vector<128x64xf32>
    %dot_general3A_78 = arith.constant dense<0.000000e+00> : vector<400x64xf32>
    %dot_general3A_79 = tpu.matmul %max3A_74, %get3A_77, %dot_general3A_78 {dimension_numbers = #tpu.dot_dimension_numbers<[1], [0], [0], [1], [0, 0, 1, 1], [], []>, transpose_lhs_hint = false} : vector<400x128xf32>, vector<128x64xf32>, vector<400x64xf32> -> vector<400x64xf32>
    %get3A_80 = arith.constant 0 : index
    %get3A_81 = vector.load %arg8[%get3A_80] : memref<64xf32, #tpu.memory_space<vmem>>, vector<64xf32>
    %broadcast_in_dim3A_82 = vector.shape_cast %get3A_81 : vector<64xf32> to vector<1x64xf32>
    %add3A_83 = vector.broadcast %broadcast_in_dim3A_82 : vector<1x64xf32> to vector<400x64xf32>
    %add3A_84 = arith.addf %dot_general3A_79, %add3A_83 : vector<400x64xf32>
    %get3A_85 = arith.constant 0 : index
    %get3A_86 = arith.constant 0 : index
    %get3A_87 = vector.load %arg9[%get3A_85, %get3A_86] : memref<64x128xf32, #tpu.memory_space<vmem>>, vector<64x128xf32>
    %dot_general3A_88 = arith.constant dense<0.000000e+00> : vector<400x128xf32>
    %dot_general3A_89 = tpu.matmul %add3A_84, %get3A_87, %dot_general3A_88 {dimension_numbers = #tpu.dot_dimension_numbers<[1], [0], [0], [1], [0, 0, 1, 1], [], []>, transpose_lhs_hint = false} : vector<400x64xf32>, vector<64x128xf32>, vector<400x128xf32> -> vector<400x128xf32>
    %get3A_90 = arith.constant 0 : index
    %get3A_91 = vector.load %arg10[%get3A_90] : memref<128xf32, #tpu.memory_space<vmem>>, vector<128xf32>
    %broadcast_in_dim3A_92 = vector.shape_cast %get3A_91 : vector<128xf32> to vector<1x128xf32>
    %add3A_93 = vector.broadcast %broadcast_in_dim3A_92 : vector<1x128xf32> to vector<400x128xf32>
    %add3A_94 = arith.addf %dot_general3A_89, %add3A_93 : vector<400x128xf32>
    %swap3A = arith.constant 0 : index
    %swap3A_95 = arith.constant 0 : index
    %swap3A_96 = vector.load %arg11[%swap3A, %swap3A_95] : memref<400x128xf32, #tpu.memory_space<vmem>>, vector<400x128xf32>
    tpu.vector_store %arg11[%swap3A, %swap3A_95], %add3A_94 {strides = array<i32>} : memref<400x128xf32, #tpu.memory_space<vmem>>, vector<400x128xf32>,
    %swap3A_97 = arith.constant 0 : index
    %swap3A_98 = arith.constant 0 : index
    %swap3A_99 = vector.load %arg12[%swap3A_97, %swap3A_98] : memref<400x64xf32, #tpu.memory_space<vmem>>, vector<400x64xf32>
    tpu.vector_store %arg12[%swap3A_97, %swap3A_98], %add3A_84 {strides = array<i32>} : memref<400x64xf32, #tpu.memory_space<vmem>>, vector<400x64xf32>,
    return
  }
  func.func @transform_0(%arg0: i32) -> (i32, i32, i32) {
    %c0_i32 = arith.constant 0 : i32
    %c0_i32_0 = arith.constant 0 : i32
    %c0_i32_1 = arith.constant 0 : i32
    return %c0_i32, %arg0, %c0_i32_0 : i32, i32, i32
  }
  func.func @transform_1(%arg0: i32) -> (i32, i32, i32) {
    %c0_i32 = arith.constant 0 : i32
    %c0_i32_0 = arith.constant 0 : i32
    %c0_i32_1 = arith.constant 0 : i32
    return %c0_i32, %arg0, %c0_i32_0 : i32, i32, i32
  }
  func.func @transform_2(%arg0: i32) -> (i32, i32) {
    %c0_i32 = arith.constant 0 : i32
    %c0_i32_0 = arith.constant 0 : i32
    %c0_i32_1 = arith.constant 0 : i32
    return %c0_i32, %c0_i32_0 : i32, i32
  }
  func.func @transform_3(%arg0: i32) -> i32 {
    %c0_i32 = arith.constant 0 : i32
    %c0_i32_0 = arith.constant 0 : i32
    return %c0_i32 : i32
  }
  func.func @transform_4(%arg0: i32) -> (i32, i32) {
    %c0_i32 = arith.constant 0 : i32
    %c0_i32_0 = arith.constant 0 : i32
    %c0_i32_1 = arith.constant 0 : i32
    return %c0_i32, %c0_i32_0 : i32, i32
  }
  func.func @transform_5(%arg0: i32) -> i32 {
    %c0_i32 = arith.constant 0 : i32
    %c0_i32_0 = arith.constant 0 : i32
    return %c0_i32 : i32
  }
  func.func @transform_6(%arg0: i32) -> (i32, i32) {
    %c0_i32 = arith.constant 0 : i32
    %c0_i32_0 = arith.constant 0 : i32
    %c0_i32_1 = arith.constant 0 : i32
    return %c0_i32, %c0_i32_0 : i32, i32
  }
  func.func @transform_7(%arg0: i32) -> i32 {
    %c0_i32 = arith.constant 0 : i32
    %c0_i32_0 = arith.constant 0 : i32
    return %c0_i32 : i32
  }
  func.func @transform_8(%arg0: i32) -> (i32, i32) {
    %c0_i32 = arith.constant 0 : i32
    %c0_i32_0 = arith.constant 0 : i32
    %c0_i32_1 = arith.constant 0 : i32
    return %c0_i32, %c0_i32_0 : i32, i32
  }
  func.func @transform_9(%arg0: i32) -> i32 {
    %c0_i32 = arith.constant 0 : i32
    %c0_i32_0 = arith.constant 0 : i32
    return %c0_i32 : i32
  }
  func.func @transform_10(%arg0: i32) -> (i32, i32) {
    %c0_i32 = arith.constant 0 : i32
    %c0_i32_0 = arith.constant 0 : i32
    return %arg0, %c0_i32 : i32, i32
  }
  func.func @transform_11(%arg0: i32) -> (i32, i32) {
    %c0_i32 = arith.constant 0 : i32
    %c0_i32_0 = arith.constant 0 : i32
    return %arg0, %c0_i32 : i32, i32
  }
}

</mosaic_0001>

<sc_bundles>
// kernel: kernel.4.cloned.1.call-start
scs
__scs_entry_jumppad:
0x0: {  	(pc) =	sbr.rel $0x88, $3  }
0x1: {  	(tag) =	ssettag $0x0;
	lr =	simm.s32 $0x1  }
0x2: {  	[smem:$0x3F96] =	sst lr;
	_ =	strace $0xD0000000  }
0x3: {  	_ = 	snop  }
0x4: {  	_ = 	snop  }
0x5: {  	_ = 	snop  }
0x6: {  	_ = 	snop  }
0x7: {  	_ = 	snop  }
__scs_overlays_trampoline_lowered:
0x8: {  	[smem:$0x3FA5] =	sst s0  }
0x9: {  	[smem:$0x3FA6] =	sst s1  }
0xa: {  	[smem:$0x3FA7] =	sst s2  }
0xb: {  	[smem:$0x3FA8] =	sst s3  }
0xc: {  	[smem:$0x3FA9] =	sst s4  }
0xd: {  	[smem:$0x3FAA] =	sst s5  }
0xe: {  	[smem:$0x3FAB] =	sst s6  }
0xf: {  	[smem:$0x3FAC] =	sst s7  }
0x10: {  	[smem:$0x3FAD] =	sst s8  }
0x11: {  	[smem:$0x3FAE] =	sst s9;
	s0 =	simm.s32 @!p0 $0x0  }
0x12: {  	s1 =	sld [smem:$0x3F94];
	s0 =	simm.s32 @p0 $0x1  }
0x13: {  	[smem:$0x3FAF] =	sst s0;
	s0 =	simm.s32 @!p1 $0x0  }
0x14: {  	s2 =	sld [smem:$0x3F93];
	s0 =	simm.s32 @p1 $0x1  }
0x15: {  	[smem:$0x3FB0] =	sst s0;
	s0 =	simm.s32 @!p2 $0x0  }
0x16: {  	s3 =	sld [smem:$0x3FDB];
	s0 =	simm.s32 @p2 $0x1  }
0x17: {  	s4 =	simm.s32 $0x1BF5;
	[smem:$0x3FB2] =	sst s0  }
0x18: {  	s0 =	sld [smem:$0x3F95];
	_ =	swait.ge [sflag:s4], $0x0  }
0x19: {  	s7 =	sld [smem:$0x3F96]  }
0x1a: {  	s8 =	sadd.s32 $0xFFFFE003, lr  }
0x1b: {  	s9 =	sadd.s32 $0xFFFFFEF7, lr;
	s5 =	simm.s32 $0xFFFFFFFF;
	p2 =	slt.u32 s8, $0xFFFFF086  }
0x1c: {  	p1 =	slt.u32 s9, $0xF7A;
	s5 =	simm.s32 @!p2 $0x0  }
0x1d: {  	s5 =	simm.s32 @p1 $0x1;
	p0 =	seq.s32 s7, s2  }
0x1e: {  	s7 =	smul.u32 @!p0 $0xF7A, s2;
	p2 =	seq.s32 @!p0 s5, $0x0  }
0x1f: {  	s9 =	smul.u32 $0xF7A, s1;
	s8 =	simm.s32 @!p0 $0x1BF5;
	p2 =	por !p2, p0  }
0x20: {  	[sflag:s8] =	ssyncset.s32 @!p0 $0xFFFFF086;
	s6 =	sadd.s32 @!p0 s3, s7;
	s7 =	simm.s32 @!p0 $0x108  }
0x21: {  	s3 =	sadd.s32 s3, s9;
	s6 =	sadd.s32 @!p0 $0x88, s6;
	s7 =	simm.s32 @p2 $0x1082  }
0x22: {  	[simem:s7], [sflag:s8] =	dma.local @!p0 [hbm:s6], $0xF7A  }
0x23: {  	s9 =	sor.u32 $0xD0000000, s2;
	s6 =	simm.s32 $0x108;
	_ =	swait.ge @!p0 [sflag:s8], $0x0  }
0x24: {  	s3 =	sadd.s32 $0x88, s3;
	s6 =	simm.s32 @!p1 $0x1082;
	[sflag:s4] =	ssyncset.s32 $0xFFFFF086  }
0x25: {  	[simem:s6], [sflag:s4] =	dma.local [hbm:s3], $0xF7A  }
0x26: {  	[smem:$0x3F96] =	sst s1;
	(tag) =	ssettag s2;
	_ =	strace s9  }
0x27: {  	s1 =	sld [smem:$0x3FA6]  }
0x28: {  	s2 =	sld [smem:$0x3FA7]  }
0x29: {  	s4 =	sld [smem:$0x3FA9]  }
0x2a: {  	p0 =	seq.s32 s5, $0x0;
	s5 =	sld [smem:$0x3FAA]  }
0x2b: {  	s6 =	sld [smem:$0x3FAB]  }
0x2c: {  	s7 =	sld [smem:$0x3FAC]  }
0x2d: {  	s3 =	simm.s32 $0x108;
	s8 =	sld [smem:$0x3FAD]  }
0x2e: {  	s3 =	simm.s32 @!p0 $0x1082;
	s9 =	sld [smem:$0x3FAE]  }
0x2f: {  	lr =	sadd.s32 s0, s3;
	s0 =	sld [smem:$0x3FA5]  }
0x30: {  	s3 =	sld [smem:$0x3FA8]  }
0x31: {  	[smem:$0x3FB1] =	sst s10  }
0x32: {  	s10 =	sld [smem:$0x3FAF];
	_ =	sdelay $0x3  }
0x33: {  	p0 =	seq.s32 s10, $0x1;
	s10 =	sld [smem:$0x3FB1];
	_ =	sdelay $0x3  }
0x34: {  	[smem:$0x3FB1] =	sst s10  }
0x35: {  	s10 =	sld [smem:$0x3FB0];
	_ =	sdelay $0x3  }
0x36: {  	p1 =	seq.s32 s10, $0x1;
	s10 =	sld [smem:$0x3FB1];
	_ =	sdelay $0x3  }
0x37: {  	[smem:$0x3FB1] =	sst s10  }
0x38: {  	s10 =	sld [smem:$0x3FB2]  }
0x39: {  	_ = 	snop;
	(pc) =	sbr.ind lr, $3  }
0x3a: {  	_ = 	snop  }
0x3b: {  	_ = 	snop  }
0x3c: {  	p2 =	seq.s32 s10, $0x1;
	s10 =	sld [smem:$0x3FB1]  }
0x3d: {  	_ =	shalt  }
0x3e: {  	_ =	shalt  }
0x3f: {  	_ =	shalt  }
0x40: {  	_ =	shalt  }
0x41: {  	_ =	shalt  }
0x42: {  	_ =	shalt  }
0x43: {  	_ =	shalt  }
0x44: {  	_ =	shalt  }
0x45: {  	_ =	shalt  }
0x46: {  	_ =	shalt  }
0x47: {  	_ =	shalt  }
0x48: {  	_ =	shalt  }
0x49: {  	_ =	shalt  }
0x4a: {  	_ =	shalt  }
0x4b: {  	_ =	shalt  }
0x4c: {  	_ =	shalt  }
0x4d: {  	_ =	shalt  }
0x4e: {  	_ =	shalt  }
0x4f: {  	_ =	shalt  }
0x50: {  	_ =	shalt  }
0x51: {  	_ =	shalt  }
0x52: {  	_ =	shalt  }
0x53: {  	_ =	shalt  }
0x54: {  	_ =	shalt  }
0x55: {  	_ =	shalt  }
0x56: {  	_ =	shalt  }
0x57: {  	_ =	shalt  }
0x58: {  	_ =	shalt  }
0x59: {  	_ =	shalt  }
0x5a: {  	_ =	shalt  }
0x5b: {  	_ =	shalt  }
0x5c: {  	_ =	shalt  }
0x5d: {  	_ =	shalt  }
0x5e: {  	_ =	shalt  }
0x5f: {  	_ =	shalt  }
0x60: {  	_ =	shalt  }
0x61: {  	_ =	shalt  }
0x62: {  	_ =	shalt  }
0x63: {  	_ =	shalt  }
0x64: {  	_ =	shalt  }
0x65: {  	_ =	shalt  }
0x66: {  	_ =	shalt  }
0x67: {  	_ =	shalt  }
0x68: {  	_ =	shalt  }
0x69: {  	_ =	shalt  }
0x6a: {  	_ =	shalt  }
0x6b: {  	_ =	shalt  }
0x6c: {  	_ =	shalt  }
0x6d: {  	_ =	shalt  }
0x6e: {  	_ =	shalt  }
0x6f: {  	_ =	shalt  }
0x70: {  	_ =	shalt  }
0x71: {  	_ =	shalt  }
0x72: {  	_ =	shalt  }
0x73: {  	_ =	shalt  }
0x74: {  	_ =	shalt  }
0x75: {  	_ =	shalt  }
0x76: {  	_ =	shalt  }
0x77: {  	_ =	shalt  }
0x78: {  	_ =	shalt  }
0x79: {  	_ =	shalt  }
0x7a: {  	_ =	shalt  }
0x7b: {  	_ =	shalt  }
0x7c: {  	_ =	shalt  }
0x7d: {  	_ =	shalt  }
0x7e: {  	_ =	shalt  }
0x7f: {  	_ =	shalt  }
0x80: {  	_ =	shalt  }
0x81: {  	_ =	shalt  }
0x82: {  	_ =	shalt  }
0x83: {  	_ =	shalt  }
0x84: {  	_ =	shalt  }
0x85: {  	_ =	shalt  }
0x86: {  	_ =	shalt  }
0x87: {  	_ =	shalt  }
.Lfunc_end0:
.L_simem_size_0:
called_computation_lowered:
.L_overlay_start_0:
0x88: {  	s2 =	sld [smem:$0x3FD9]  }
0x89: {  	s3 =	sld [smem:$0x3FFE];
	_ =	sdelay $0x1  }
0x8a: {  	s1 =	srdreg.scid  }
0x8b: {  	s0 =	sand.u32 $0x1, s1  }
0x8c: {  	s14 =	sshll.u32 s0, $0xA;
	s2 =	sadd.s32 s3, s2  }
0x8d: {  	s2 =	sadd.s32 s2, s14  }
0x8e: {  	[smem:$0x3FBD] =	sst s2  }
0x8f: {  	_ = 	snop  }
0x90: {  	s2 =	sld [smem:$0x3FD0];
	_ =	sdelay $0x2  }
0x91: {  	s4 =	simm.s32 $0xA;
	s5 =	simm.s32 $0x10;
	s15 =	sld [smem:$0x3FC9]  }
0x92: {  	[smem:s5], [sflag:s4] =	dma.local [hbm:s2], $0x1  }
0x93: {  	_ =	swait.eq [sflag:s4], $0x1  }
0x94: {  	[sflag:s4] =	ssyncset.done $0x0  }
0x95: {  	s16 =	sld [smem:$0x10];
	[sflag:s4] =	ssyncadd.s32 $0xFFFFFFFF  }
0x96: {  	s17 =	sld [smem:$0x11];
	(tm) =	ssettm $0x1  }
0x97: {  	s18 =	sld [smem:$0x3FFB];
	_ =	sdelay $0x3  }
0x98: {  	_ =	strace s18  }
0x99: {  	s5 =	sld [smem:$0x3FFC];
	_ =	sdelay $0x3  }
0x9a: {  	_ =	strace s5  }
0x9b: {  	s5 =	sld [smem:$0x3FFD];
	_ =	sdelay $0x3  }
0x9c: {  	_ =	strace s5  }
0x9d: {  	_ =	strace $0x8FFFFFFF  }
0x9e: {  	s19 =	sld [smem:$0x3FDB];
	_ =	sdelay $0x1  }
0x9f: {  	s6 =	simm.s32 $_scs_section_size  }
0xa0: {  	s7 =	simm.s32 $_size__tile_overlayer_lowered;
	s8 =	simm.s32 $_tile_overlayer_lowered  }
0xa1: {  	s22 =	simm.s32 $0x1BFF;
	s21 =	sshll.u32 s8, $0x1;
	s5 =	sadd.s32 s6, s19  }
0xa2: {  	s9 =	simm.s32 $0x0;
	s20 =	sshll.u32 s7, $0x1;
	s7 =	sadd.s32 s21, s5  }
0xa3: {  	[timem:s9], [sflag:s22] =	dma.local [hbm:s7], s20  }
0xa4: {  	_ =	swait.ge [sflag:s22], s20  }
0xa5: {  	s6 =	ssub.s32 $0x0, s20;
	[sflag:s22] =	ssyncset.done $0x0  }
0xa6: {  	[sflag:s22] =	ssyncadd.s32 s6;
	_ =	sdelay $0x1  }
0xa7: {  	s23 =	simm.s32 $0x1B8B  }
0xa8: {  	_ =	swait.ge [sflag:s23], $0x1  }
0xa9: {  	[sflag:s23] =	ssyncset.done $0x0  }
0xaa: {  	s25 =	simm.s32 $0x1B8E;
	s24 =	sld [smem:$0x3FFE];
	[sflag:s23] =	ssyncadd.s32 $0xFFFFFFFF  }
0xab: {  	s26 =	simm.s32 $execute0_lowered;
	[smem:$0x3FD2] =	sst s25  }
0xac: {  	s7 =	sshll.u32 s26, $0x1;
	_ =	strace $0x80000046;
	[dreg:$0x1] =	wrdreg $0xFFFFFFFF  }
0xad: {  	s28 =	simm.s32 $_size_execute0_lowered;
	s5 =	sadd.s32 s5, s7;
	[dreg:$0x0] =	wrdreg $0x0  }
0xae: {  	s7 =	sshll.u32 s28, $0x1;
	[dreg:$0x2] =	wrdreg s5  }
0xaf: {  	[dreg:$0x3] =	wrdreg s7  }
0xb0: {  	[dreg:$0x4] =	wrdreg $0xC0  }
0xb1: {  	_ =	task [dreg:s9], $0x5FFFF  }
0xb2: {  	[dreg:$0x1] =	wrdreg $0xFFFFFFFF  }
0xb3: {  	[dreg:$0x0] =	wrdreg $0x60  }
0xb4: {  	[dreg:$0x2] =	wrdreg s15  }
0xb5: {  	[dreg:$0x3] =	wrdreg s17  }
0xb6: {  	[dreg:$0x4] =	wrdreg s16  }
0xb7: {  	[dreg:$0x5] =	wrdreg s24  }
0xb8: {  	[dreg:$0x6] =	wrdreg $0x0  }
0xb9: {  	[dreg:$0x7] =	wrdreg $0x9  }
0xba: {  	_ =	task.clear_ibuf [dreg:s9], $0x8FFFF;
	_ =	strace $0x90000046  }
0xbb: {  	s29 =	simm.s32 $0x9;
	_ =	strace $0x80000048  }
0xbc: {  	_ =	swait.ge [sflag:s29], $0x1  }
0xbd: {  	[sflag:s29] =	ssyncadd.s32 $0xFFFFFFFF  }
0xbe: {  	_ =	strace $0x90000048  }
0xbf: {  	_ =	sfence  }
0xc0: {  	s30 =	sld [smem:$0x0];
	_ =	sdelay $0x2  }
0xc1: {  	s31 =	sshll.u32 s1, $0xD;
	s1 =	sshrl.u32 s1, $0x2  }
0xc2: {  	s3 =	sand.u32 $0x4000, s31;
	s1 =	sadd.s32 s1, s30  }
0xc3: {  	s0 =	sor.u32 s3, s0;
	s1 =	sshll.u32 s1, $0x11  }
0xc4: {  	s0 =	sor.u32 s1, s0  }
0xc5: {  	s0 =	sadd.s32 $0x8F2B, s0  }
0xc6: {  	[sflag:s0] =	ssyncadd.remote.s32 $0x1  }
0xc7: {  	_ =	sfence.sel $0xFFFF  }
0xc8: {  	[dreg:$0x0] =	wrdreg $0xFFFFFFFF;
	(pc) =	sbr.abs _section_cstart, $3  }
0xc9: {  	[dreg:$0x1] =	wrdreg $0xFFFFFFFF  }
0xca: {  	_ =	task.clear_ibuf [dreg:s9], $0x2FFFF;
	_ =	strace $0x9FFFFFFF  }
0xcb: {  	(tm) =	ssettm $0x7FFFFFFF  }
tec
execute0_lowered:
.L_overlay_start_1:
0x0: {  	(tag) =	ssettag $0x1  }
0x1: {  	s1 =	rddreg [dreg:$0x0]  }
0x2: {  	s2 =	rddreg [dreg:$0x1]  }
0x3: {  	s3 =	rddreg [dreg:$0x2]  }
0x4: {  	s0 =	rddreg [dreg:$0x3]  }
0x5: {  	s4 =	rddreg [dreg:$0x4];
	s5 =	srdreg.scid  }
0x6: {  	s6 =	simm.s32 $0x0;
	s12 =	stileid.u32;
	s29 =	simm.s32 $0x14300  }
0x7: {  	s31 =	simm.s32 $0x14080;
	s28 =	simm.s32 $0x4;
	s8 =	smul.u32 $0x4E20, s12  }
0x8: {  	s30 =	simm.s32 $0x14180;
	s5 =	sand.u32 $0x1, s5;
	s9 =	smul.u32 $0x50000, s12  }
0x9: {  	[smem:$0x7FF] =	sst s6;
	s10 =	sadd.s32 $0x1E00, s0;
	s12 =	smul.u32 $0x14000, s12  }
0xa: {  	s13 =	sadd.s32 $0x51E00, s0;
	s7 =	smul.u32 $0x4E200, s5;
	s11 =	ssub.s32 $0x2, s5  }
0xb: {  	_ =	strace $0x80000047;
	s5 =	smul.u32 $0x140000, s5;
	s14 =	sshrl.u32 s11, $0x1  }
0xc: {  	s16 =	sadd.s32 $0xC000, s12;
	s11 =	ssub.s32 s11, s14;
	s14 =	sadd.s32 s8, s7  }
0xd: {  	s7 =	sshrl.u32 s9, $0x2;
	s8 =	sadd.s32 $0x4000, s12;
	s9 =	sadd.s32 $0x8000, s12  }
0xe: {  	s15 =	sadd.s32 s12, s5;
	s12 =	sadd.s32 $0x10000, s12;
	s19 =	sadd.s32 s5, s16  }
0xf: {  	s15 =	sshrl.u32 s15, $0x3;
	s17 =	sadd.s32 s5, s8;
	s25 =	sadd.s32 s5, s9  }
0x10: {  	s19 =	sshrl.u32 s19, $0x3;
	s5 =	sadd.s32 s5, s12;
	s18 =	sadd.s32 s10, s15  }
0x11: {  	s17 =	sshrl.u32 s17, $0x3;
	s26 =	sadd.s32 s10, s19;
	[dreg:$0x6] =	wrdreg s18  }
0x12: {  	s5 =	sshrl.u32 s5, $0x3;
	s23 =	sadd.s32 s13, s19;
	[dreg:$0x9] =	wrdreg s26  }
0x13: {  	s19 =	sadd.s32 $0x280, s14;
	s24 =	sadd.s32 s10, s17;
	[dreg:$0xe] =	wrdreg s23  }
0x14: {  	s18 =	sshrl.u32 s25, $0x3;
	s21 =	sadd.s32 s13, s17;
	[dreg:$0x7] =	wrdreg s24  }
0x15: {  	s23 =	sadd.s32 $0x1600, s0;
	s0 =	sadd.s32 $0xE00, s0;
	[dreg:$0xc] =	wrdreg s21  }
0x16: {  	s25 =	sshrl.u32 s14, $0x3;
	s17 =	sadd.s32 $0x380, s14;
	[dreg:$0x11] =	wrdreg s0  }
0x17: {  	s20 =	sadd.s32 s10, s18;
	s10 =	sadd.s32 s10, s5;
	[dreg:$0x10] =	wrdreg s23  }
0x18: {  	s22 =	sadd.s32 s13, s18;
	s5 =	sadd.s32 s13, s5;
	[dreg:$0x8] =	wrdreg s20  }
0x19: {  	s24 =	sadd.s32 s7, s4;
	s21 =	sadd.s32 s8, s4;
	[dreg:$0xa] =	wrdreg s10  }
0x1a: {  	s26 =	sadd.s32 $0x10, s25;
	s0 =	sadd.s32 $0x9C0, s25;
	[dreg:$0xd] =	wrdreg s22  }
0x1b: {  	s7 =	sshrl.u32 s17, $0x3;
	s18 =	sadd.s32 $0x300, s14;
	[dreg:$0xf] =	wrdreg s5  }
0x1c: {  	s17 =	simm.s32 $0x2;
	s20 =	sadd.s32 s13, s15;
	[dreg:$0x12] =	wrdreg s24  }
0x1d: {  	s22 =	sadd.s32 s9, s4;
	s13 =	sadd.s32 s12, s4;
	[dreg:$0x13] =	wrdreg s21  }
0x1e: {  	s8 =	sadd.s32 s2, s26;
	s5 =	sadd.s32 s3, s26;
	[dreg:$0xb] =	wrdreg s20  }
0x1f: {  	s9 =	sadd.s32 s2, s25;
	s10 =	sadd.s32 s3, s25;
	[dreg:$0x17] =	wrdreg s8  }
0x20: {  	s12 =	sadd.s32 $0x180, s14;
	s15 =	sadd.s32 s2, s0;
	[dreg:$0x18] =	wrdreg s5  }
0x21: {  	s0 =	sadd.s32 s3, s0;
	s7 =	sadd.s32 s7, s3;
	[dreg:$0x19] =	wrdreg s9  }
0x22: {  	s24 =	sadd.s32 $0x100, s14;
	s25 =	sadd.s32 $0x200, s14;
	[dreg:$0x1a] =	wrdreg s10  }
0x23: {  	s14 =	simm.s32 $0x14400;
	s20 =	sadd.s32 s16, s4;
	[dreg:$0x1b] =	wrdreg s15  }
0x24: {  	[dreg:$0x1c] =	wrdreg s0;
	s5 =	sshrl.u32 s12, $0x3;
	s16 =	smax.u32 s11, $0x1  }
0x25: {  	s8 =	sshrl.u32 s18, $0x3;
	s9 =	sshrl.u32 s19, $0x3;
	[dreg:$0x1f] =	wrdreg s25  }
0x26: {  	[dreg:$0x1e] =	wrdreg s24;
	s26 =	sshrl.u32 s24, $0x3;
	s15 =	simm.s32 $0x5  }
0x27: {  	s24 =	simm.s32 $0x14000;
	s12 =	simm.s32 $0x18400;
	[dreg:$0x14] =	wrdreg s22  }
0x28: {  	s18 =	simm.s32 $0x3;
	s25 =	simm.s32 $0x6;
	[dreg:$0x16] =	wrdreg s13  }
0x29: {  	s11 =	simm.s32 $0x14100;
	s19 =	simm.s32 $0x0;
	[dreg:$0x1d] =	wrdreg s16  }
0x2a: {  	s0 =	sadd.s32 s3, s5;
	s5 =	sadd.s32 s5, s2;
	[smem:$0x7FB] =	sst s26  }
0x2b: {  	s8 =	sadd.s32 s8, s3;
	s10 =	sadd.s32 s9, s3;
	[smem:$0x7FD] =	sst s19  }
0x2c: {  	s9 =	sadd.s32 s3, s26;
	s16 =	simm.s32 $0x14280;
	[dreg:$0x15] =	wrdreg s20  }
0x2d: {  	s26 =	simm.s32 $0x80;
	[smem:$0x7FC] =	sst s9;
	s9 =	simm.s32 $0x1  }
.LBB2_1:
0x2e: {  	[tilespmem:s14], [sflag:$0x5] =	stream.linear.gather [hbm4b:s23+s6], $0x4000, $0x38;
	[tilespmem:$0x1D400] =	vst v63  }
0x2f: {  	_ =	swait.ge [sflag:s15], $0x4000  }
0x30: {  	[sflag:s15] =	ssyncset.done $0x0  }
0x31: {  	s19 =	rddreg [dreg:$0x12];
	[sflag:s15] =	ssyncadd.s32 $0xFFFFC000  }
0x32: {  	[spmem:s19] =	stream.linear.scatter [tilespmem:s14], [sflag:$0x5], $0x4000, $0x38;
	[tilespmem:$0x1D400] =	vst v63  }
0x33: {  	_ =	swait.ge [sflag:s15], $0x4000  }
0x34: {  	[sflag:s15] =	ssyncset.done $0x0  }
0x35: {  	[sflag:s15] =	ssyncadd.s32 $0xFFFFC000  }
0x36: {  	[spmem:s21] =	stream.linear.scatter [tilespmem:s14], [sflag:$0x5], $0x4000, $0x38;
	[tilespmem:$0x1D400] =	vst v63  }
0x37: {  	_ =	swait.ge [sflag:s15], $0x4000  }
0x38: {  	[sflag:s15] =	ssyncset.done $0x0  }
0x39: {  	[sflag:s15] =	ssyncadd.s32 $0xFFFFC000  }
0x3a: {  	[spmem:s22] =	stream.linear.scatter [tilespmem:s14], [sflag:$0x5], $0x4000, $0x38;
	[tilespmem:$0x1D400] =	vst v63  }
0x3b: {  	_ =	swait.ge [sflag:s15], $0x4000  }
0x3c: {  	[sflag:s15] =	ssyncset.done $0x0  }
0x3d: {  	[sflag:s15] =	ssyncadd.s32 $0xFFFFC000  }
0x3e: {  	[spmem:s20] =	stream.linear.scatter [tilespmem:s14], [sflag:$0x5], $0x4000, $0x38;
	[tilespmem:$0x1D400] =	vst v63  }
0x3f: {  	_ =	swait.ge [sflag:s15], $0x4000  }
0x40: {  	[sflag:s15] =	ssyncset.done $0x0  }
0x41: {  	[sflag:s15] =	ssyncadd.s32 $0xFFFFC000  }
0x42: {  	[spmem:s13] =	stream.linear.scatter [tilespmem:s14], [sflag:$0x5], $0x4000, $0x38;
	[tilespmem:$0x1D400] =	vst v63  }
0x43: {  	_ =	swait.ge [sflag:s15], $0x4000  }
0x44: {  	[sflag:s15] =	ssyncset.done $0x0  }
0x45: {  	[sflag:s15] =	ssyncadd.s32 $0xFFFFC000  }
0x46: {  	[bflag:$0x0] =	sbarrier.arrive $0xFFFF  }
0x47: {  	s20 =	rddreg [dreg:$0x19]  }
0x48: {  	[tilespmem:s16], [sflag:$0x5] =	stream.linear.gather [hbm4b:s20+s6], $0x80, $0x38;
	[tilespmem:$0x1D400] =	vst v63  }
0x49: {  	_ =	swait.ge [sflag:s15], $0x80  }
0x4a: {  	[sflag:s15] =	ssyncset.done $0x0  }
0x4b: {  	s21 =	rddreg [dreg:$0x1a];
	[sflag:s15] =	ssyncadd.s32 $0xFFFFFF80  }
0x4c: {  	[tilespmem:s24], [sflag:$0x5] =	stream.linear.gather [hbm4b:s21+s6], $0x80, $0x38;
	[tilespmem:$0x1D400] =	vst v63  }
0x4d: {  	_ =	swait.ge [sflag:s15], $0x80  }
0x4e: {  	[sflag:s15] =	ssyncset.done $0x0  }
0x4f: {  	[sflag:s15] =	ssyncadd.s32 $0xFFFFFF80  }
0x50: {  	[tilespmem:s14], [sflag:$0x1] =	stream.indirect.gather [hbm4b:s1+s26], $0x80, s16, s26, $0xb8;
	[tilespmem:$0x1D400] =	vst v63  }
0x51: {  	s22 =	rddreg [dreg:$0x17]  }
0x52: {  	[tilespmem:s29], [sflag:$0x5] =	stream.linear.gather [hbm4b:s22+s6], $0x80, $0x38;
	[tilespmem:$0x1D400] =	vst v63  }
0x53: {  	_ =	swait.ge [sflag:s15], $0x80  }
0x54: {  	[sflag:s15] =	ssyncset.done $0x0  }
0x55: {  	s23 =	rddreg [dreg:$0x18];
	[sflag:s15] =	ssyncadd.s32 $0xFFFFFF80  }
0x56: {  	[tilespmem:s31], [sflag:$0x5] =	stream.linear.gather [hbm4b:s23+s6], $0x80, $0x38;
	[tilespmem:$0x1D400] =	vst v63  }
0x57: {  	_ =	swait.ge [sflag:s15], $0x80  }
0x58: {  	[sflag:s15] =	ssyncset.done $0x0  }
0x59: {  	[sflag:s15] =	ssyncadd.s32 $0xFFFFFF80  }
0x5a: {  	[tilespmem:s12], [sflag:$0x2] =	stream.indirect.gather [hbm4b:s1+s26], $0x80, s29, s26, $0xb8;
	[tilespmem:$0x1D400] =	vst v63  }
0x5b: {  	_ =	swait.ge [sflag:s9], $0x4000  }
0x5c: {  	[sflag:s9] =	ssyncset.done $0x0  }
0x5d: {  	[sflag:s9] =	ssyncadd.s32 $0xFFFFC000  }
0x5e: {  	[spmem:s4] =	stream.indirect.scatter.add.f32 [tilespmem:s14], [sflag:$0x3], $0x80, s24, s26, $0xb8;
	[tilespmem:$0x1D400] =	vst v63  }
0x5f: {  	_ =	swait.ge [sflag:s17], $0x4000  }
0x60: {  	[sflag:s17] =	ssyncset.done $0x0  }
0x61: {  	[sflag:s17] =	ssyncadd.s32 $0xFFFFC000  }
0x62: {  	[spmem:s4] =	stream.indirect.scatter.add.f32 [tilespmem:s12], [sflag:$0x4], $0x80, s31, s26, $0xb8;
	[tilespmem:$0x1D400] =	vst v63  }
0x63: {  	_ =	swait.ge [sflag:s18], $0x4000  }
0x64: {  	s19 =	sld [smem:$0x7FB];
	_ =	sdelay $0x1  }
0x65: {  	[sflag:s18] =	ssyncset.done $0x0  }
0x66: {  	[sflag:s18] =	ssyncadd.s32 $0xFFFFC000;
	s20 =	sadd.s32 s2, s19  }
0x67: {  	[tilespmem:s16], [sflag:$0x6] =	stream.linear.gather [hbm4b:s20+s6], $0x80, $0x38;
	[tilespmem:$0x1D400] =	vst v63  }
0x68: {  	_ =	swait.ge [sflag:s25], $0x80  }
0x69: {  	s21 =	sld [smem:$0x7FC]  }
0x6a: {  	[sflag:s25] =	ssyncset.done $0x0  }
0x6b: {  	[sflag:s25] =	ssyncadd.s32 $0xFFFFFF80  }
0x6c: {  	[tilespmem:s24], [sflag:$0x6] =	stream.linear.gather [hbm4b:s21+s6], $0x80, $0x38;
	[tilespmem:$0x1D400] =	vst v63  }
0x6d: {  	_ =	swait.ge [sflag:s25], $0x80  }
0x6e: {  	[sflag:s25] =	ssyncset.done $0x0  }
0x6f: {  	[sflag:s25] =	ssyncadd.s32 $0xFFFFFF80  }
0x70: {  	[tilespmem:s14], [sflag:$0x1] =	stream.indirect.gather [hbm4b:s1+s26], $0x80, s16, s26, $0xb8;
	[tilespmem:$0x1D400] =	vst v63  }
0x71: {  	_ =	swait.ge [sflag:s28], $0x4000  }
0x72: {  	[sflag:s28] =	ssyncset.done $0x0  }
0x73: {  	s22 =	sadd.s32 $0x0, s5;
	[sflag:s28] =	ssyncadd.s32 $0xFFFFC000  }
0x74: {  	[tilespmem:s29], [sflag:$0x6] =	stream.linear.gather [hbm4b:s22+s6], $0x80, $0x38;
	[tilespmem:$0x1D400] =	vst v63  }
0x75: {  	_ =	swait.ge [sflag:s25], $0x80  }
0x76: {  	[sflag:s25] =	ssyncset.done $0x0  }
0x77: {  	s23 =	sadd.s32 $0x0, s0;
	[sflag:s25] =	ssyncadd.s32 $0xFFFFFF80  }
0x78: {  	[tilespmem:s31], [sflag:$0x5] =	stream.linear.gather [hbm4b:s23+s6], $0x80, $0x38;
	[tilespmem:$0x1D400] =	vst v63  }
0x79: {  	_ =	swait.ge [sflag:s15], $0x80  }
0x7a: {  	s19 =	simm.s32 $0x20;
	[sflag:s15] =	ssyncset.done $0x0;
	s20 =	rddreg [dreg:$0x1e]  }
.LBB2_2:
0x7b: {  	p0 =	sne.s32 s19, $0x980;
	[sflag:s15] =	ssyncadd.s32 $0xFFFFFF80;
	s20 =	sadd.s32 $0x100, s20  }
0x7c: {  	[tilespmem:s12], [sflag:$0x2] =	stream.indirect.gather [hbm4b:s1+s26], $0x80, s29, s26, $0xb8;
	[tilespmem:$0x1D400] =	vst v63  }
0x7d: {  	s21 =	smov.u32 s19;
	s19 =	sadd.s32 $0x20, s19;
	_ =	swait.ge [sflag:s9], $0x4000  }
0x7e: {  	[sflag:s9] =	ssyncset.done $0x0  }
0x7f: {  	[sflag:s9] =	ssyncadd.s32 $0xFFFFC000  }
0x80: {  	[spmem:s4] =	stream.indirect.scatter.add.f32 [tilespmem:s14], [sflag:$0x3], $0x80, s24, s26, $0xb8;
	[tilespmem:$0x1D400] =	vst v63  }
0x81: {  	_ =	swait.ge [sflag:s17], $0x4000  }
0x82: {  	[sflag:s17] =	ssyncset.done $0x0  }
0x83: {  	[sflag:s17] =	ssyncadd.s32 $0xFFFFC000  }
0x84: {  	[spmem:s4] =	stream.indirect.scatter.add.f32 [tilespmem:s12], [sflag:$0x4], $0x80, s31, s26, $0xb8;
	[tilespmem:$0x1D400] =	vst v63  }
0x85: {  	_ =	swait.ge [sflag:s18], $0x4000  }
0x86: {  	s22 =	sshrl.u32 s20, $0x3;
	[sflag:s18] =	ssyncset.done $0x0  }
0x87: {  	s23 =	sadd.s32 s2, s22;
	[sflag:s18] =	ssyncadd.s32 $0xFFFFC000  }
0x88: {  	[tilespmem:s16], [sflag:$0x6] =	stream.linear.gather [hbm4b:s23+s6], $0x80, $0x38;
	[tilespmem:$0x1D400] =	vst v63  }
0x89: {  	_ =	swait.ge [sflag:s25], $0x80  }
0x8a: {  	[sflag:s25] =	ssyncset.done $0x0  }
0x8b: {  	s22 =	sadd.s32 s3, s22;
	[sflag:s25] =	ssyncadd.s32 $0xFFFFFF80  }
0x8c: {  	[tilespmem:s24], [sflag:$0x6] =	stream.linear.gather [hbm4b:s22+s6], $0x80, $0x38;
	[tilespmem:$0x1D400] =	vst v63  }
0x8d: {  	_ =	swait.ge [sflag:s25], $0x80  }
0x8e: {  	[sflag:s25] =	ssyncset.done $0x0  }
0x8f: {  	[sflag:s25] =	ssyncadd.s32 $0xFFFFFF80  }
0x90: {  	[tilespmem:s14], [sflag:$0x1] =	stream.indirect.gather [hbm4b:s1+s26], $0x80, s16, s26, $0xb8;
	[tilespmem:$0x1D400] =	vst v63  }
0x91: {  	_ =	swait.ge [sflag:s28], $0x4000  }
0x92: {  	[sflag:s28] =	ssyncset.done $0x0  }
0x93: {  	s22 =	sadd.s32 s21, s5;
	[sflag:s28] =	ssyncadd.s32 $0xFFFFC000  }
0x94: {  	[tilespmem:s29], [sflag:$0x6] =	stream.linear.gather [hbm4b:s22+s6], $0x80, $0x38;
	[tilespmem:$0x1D400] =	vst v63  }
0x95: {  	_ =	swait.ge [sflag:s25], $0x80  }
.Ltmp0:
0x96: {  	[sflag:s25] =	ssyncset.done $0x0;
	(pc) =	sbr.rel @p0 .LBB2_2-.Ltmp0, $4  }
0x97: {  	s21 =	sadd.s32 s21, s0;
	[sflag:s25] =	ssyncadd.s32 $0xFFFFFF80  }
0x98: {  	[tilespmem:s31], [sflag:$0x5] =	stream.linear.gather [hbm4b:s21+s6], $0x80, $0x38;
	[tilespmem:$0x1D400] =	vst v63  }
0x99: {  	_ =	swait.ge [sflag:s15], $0x80  }
0x9a: {  	[sflag:s15] =	ssyncset.done $0x0  }
0x9b: {  	[sflag:s15] =	ssyncadd.s32 $0xFFFFFF80  }
0x9c: {  	[tilespmem:s12], [sflag:$0x2] =	stream.indirect.gather [hbm4b:s1+s26], $0x80, s29, s26, $0xb8;
	[tilespmem:$0x1D400] =	vst v63  }
0x9d: {  	_ =	swait.ge [sflag:s9], $0x4000  }
0x9e: {  	[sflag:s9] =	ssyncset.done $0x0  }
0x9f: {  	[sflag:s9] =	ssyncadd.s32 $0xFFFFC000  }
0xa0: {  	[spmem:s4] =	stream.indirect.scatter.add.f32 [tilespmem:s14], [sflag:$0x3], $0x80, s24, s26, $0xb8;
	[tilespmem:$0x1D400] =	vst v63  }
0xa1: {  	_ =	swait.ge [sflag:s17], $0x4000  }
0xa2: {  	[sflag:s17] =	ssyncset.done $0x0  }
0xa3: {  	[sflag:s17] =	ssyncadd.s32 $0xFFFFC000  }
0xa4: {  	[spmem:s4] =	stream.indirect.scatter.add.f32 [tilespmem:s12], [sflag:$0x4], $0x80, s31, s26, $0xb8;
	[tilespmem:$0x1D400] =	vst v63  }
0xa5: {  	_ =	swait.ge [sflag:s18], $0x4000  }
0xa6: {  	[sflag:s18] =	ssyncset.done $0x0  }
0xa7: {  	[sflag:s18] =	ssyncadd.s32 $0xFFFFC000  }
0xa8: {  	_ =	swait.ge [sflag:s28], $0x4000  }
0xa9: {  	s19 =	simm.s32 $0x0;
	[sflag:s28] =	ssyncset.done $0x0  }
0xaa: {  	s20 =	simm.s32 $0x14380;
	s13 =	rddreg [dreg:$0x1b];
	[sflag:s28] =	ssyncadd.s32 $0xFFFFC000  }
0xab: {  	[tilespmem:s20], [sflag:$0x5] =	stream.linear.gather [hbm4b:s13+s19], $0x20, $0x38;
	[tilespmem:$0x1D400] =	vst v63  }
0xac: {  	_ =	swait.ge [sflag:s15], $0x20  }
0xad: {  	[sflag:s15] =	ssyncset.done $0x0  }
0xae: {  	s21 =	simm.s32 $0x14200;
	s22 =	rddreg [dreg:$0x1c];
	[sflag:s15] =	ssyncadd.s32 $0xFFFFFFE0  }
0xaf: {  	[tilespmem:s21], [sflag:$0x5] =	stream.linear.gather [hbm4b:s22+s19], $0x20, $0x38;
	[tilespmem:$0x1D400] =	vst v63  }
0xb0: {  	_ =	swait.ge [sflag:s15], $0x20  }
0xb1: {  	[sflag:s15] =	ssyncset.done $0x0  }
0xb2: {  	s23 =	simm.s32 $0x20;
	s22 =	simm.s32 $0x1C400;
	[sflag:s15] =	ssyncadd.s32 $0xFFFFFFE0  }
0xb3: {  	[tilespmem:s22], [sflag:$0x1] =	stream.indirect.gather [hbm4b:s1+s23], $0x80, s20, s23, $0xb8;
	[tilespmem:$0x1D400] =	vst v63  }
0xb4: {  	_ =	swait.ge [sflag:s9], $0x1000  }
0xb5: {  	[sflag:s9] =	ssyncset.done $0x0  }
0xb6: {  	[sflag:s9] =	ssyncadd.s32 $0xFFFFF000  }
0xb7: {  	[spmem:s4] =	stream.indirect.scatter.add.f32 [tilespmem:s22], [sflag:$0x5], $0x80, s21, s23, $0xb8;
	[tilespmem:$0x1D400] =	vst v63  }
0xb8: {  	_ =	swait.ge [sflag:s15], $0x1000  }
0xb9: {  	[sflag:s15] =	ssyncset.done $0x0  }
0xba: {  	[sflag:s15] =	ssyncadd.s32 $0xFFFFF000  }
0xbb: {  	[bflag:$0x0] =	sbarrier.arrive $0xFFFF  }
0xbc: {  	s23 =	rddreg [dreg:$0x12]  }
0xbd: {  	[tilespmem:s14], [sflag:$0x5] =	stream.linear.gather [spmem:s23], $0x4000, $0x38;
	[tilespmem:$0x1D400] =	vst v63  }
0xbe: {  	_ =	swait.ge [sflag:s15], $0x4000  }
0xbf: {  	[sflag:s15] =	ssyncset.done $0x0  }
0xc0: {  	s13 =	rddreg [dreg:$0x6];
	[sflag:s15] =	ssyncadd.s32 $0xFFFFC000  }
0xc1: {  	[hbm4b:s13+s19] =	stream.linear.scatter [tilespmem:s14], [sflag:$0x5], $0x4000, $0x38;
	[tilespmem:$0x1D400] =	vst v63  }
0xc2: {  	_ =	swait.ge [sflag:s15], $0x4000  }
0xc3: {  	[sflag:s15] =	ssyncset.done $0x0  }
0xc4: {  	s22 =	rddreg [dreg:$0x13];
	[sflag:s15] =	ssyncadd.s32 $0xFFFFC000  }
0xc5: {  	[tilespmem:s14], [sflag:$0x5] =	stream.linear.gather [spmem:s22], $0x4000, $0x38;
	[tilespmem:$0x1D400] =	vst v63  }
0xc6: {  	_ =	swait.ge [sflag:s15], $0x4000  }
0xc7: {  	[sflag:s15] =	ssyncset.done $0x0  }
0xc8: {  	s21 =	rddreg [dreg:$0x7];
	[sflag:s15] =	ssyncadd.s32 $0xFFFFC000  }
0xc9: {  	[hbm4b:s21+s19] =	stream.linear.scatter [tilespmem:s14], [sflag:$0x5], $0x4000, $0x38;
	[tilespmem:$0x1D400] =	vst v63  }
0xca: {  	_ =	swait.ge [sflag:s15], $0x4000  }
0xcb: {  	[sflag:s15] =	ssyncset.done $0x0  }
0xcc: {  	s21 =	rddreg [dreg:$0x14];
	[sflag:s15] =	ssyncadd.s32 $0xFFFFC000  }
0xcd: {  	[tilespmem:s14], [sflag:$0x5] =	stream.linear.gather [spmem:s21], $0x4000, $0x38;
	[tilespmem:$0x1D400] =	vst v63  }
0xce: {  	_ =	swait.ge [sflag:s15], $0x4000  }
0xcf: {  	[sflag:s15] =	ssyncset.done $0x0  }
0xd0: {  	s23 =	rddreg [dreg:$0x8];
	[sflag:s15] =	ssyncadd.s32 $0xFFFFC000  }
0xd1: {  	[hbm4b:s23+s19] =	stream.linear.scatter [tilespmem:s14], [sflag:$0x5], $0x4000, $0x38;
	[tilespmem:$0x1D400] =	vst v63  }
0xd2: {  	_ =	swait.ge [sflag:s15], $0x4000  }
0xd3: {  	[sflag:s15] =	ssyncset.done $0x0  }
0xd4: {  	s23 =	rddreg [dreg:$0x15];
	[sflag:s15] =	ssyncadd.s32 $0xFFFFC000  }
0xd5: {  	[tilespmem:s14], [sflag:$0x5] =	stream.linear.gather [spmem:s23], $0x4000, $0x38;
	[tilespmem:$0x1D400] =	vst v63  }
0xd6: {  	_ =	swait.ge [sflag:s15], $0x4000  }
0xd7: {  	[sflag:s15] =	ssyncset.done $0x0  }
0xd8: {  	s13 =	rddreg [dreg:$0x9];
	[sflag:s15] =	ssyncadd.s32 $0xFFFFC000  }
0xd9: {  	[hbm4b:s13+s19] =	stream.linear.scatter [tilespmem:s14], [sflag:$0x5], $0x4000, $0x38;
	[tilespmem:$0x1D400] =	vst v63  }
0xda: {  	_ =	swait.ge [sflag:s15], $0x4000  }
0xdb: {  	[sflag:s15] =	ssyncset.done $0x0  }
0xdc: {  	s13 =	rddreg [dreg:$0x16];
	[sflag:s15] =	ssyncadd.s32 $0xFFFFC000  }
0xdd: {  	[tilespmem:s14], [sflag:$0x5] =	stream.linear.gather [spmem:s13], $0x4000, $0x38;
	[tilespmem:$0x1D400] =	vst v63  }
0xde: {  	_ =	swait.ge [sflag:s15], $0x4000  }
0xdf: {  	[sflag:s15] =	ssyncset.done $0x0  }
0xe0: {  	s20 =	rddreg [dreg:$0xa];
	[sflag:s15] =	ssyncadd.s32 $0xFFFFC000  }
0xe1: {  	[hbm4b:s20+s19] =	stream.linear.scatter [tilespmem:s14], [sflag:$0x5], $0x4000, $0x38;
	[tilespmem:$0x1D400] =	vst v63  }
0xe2: {  	_ =	swait.ge [sflag:s15], $0x4000  }
0xe3: {  	[sflag:s15] =	ssyncset.done $0x0  }
0xe4: {  	[sflag:s15] =	ssyncadd.s32 $0xFFFFC000  }
0xe5: {  	[bflag:$0x0] =	sbarrier.arrive $0xFFFF  }
0xe6: {  	s20 =	rddreg [dreg:$0x10]  }
0xe7: {  	[tilespmem:s14], [sflag:$0x5] =	stream.linear.gather [hbm4b:s20+s19], $0x4000, $0x38;
	[tilespmem:$0x1D400] =	vst v63  }
0xe8: {  	_ =	swait.ge [sflag:s15], $0x4000  }
0xe9: {  	[sflag:s15] =	ssyncset.done $0x0  }
0xea: {  	s20 =	rddreg [dreg:$0x12];
	[sflag:s15] =	ssyncadd.s32 $0xFFFFC000  }
0xeb: {  	[spmem:s20] =	stream.linear.scatter [tilespmem:s14], [sflag:$0x5], $0x4000, $0x38;
	[tilespmem:$0x1D400] =	vst v63  }
0xec: {  	_ =	swait.ge [sflag:s15], $0x4000  }
0xed: {  	[sflag:s15] =	ssyncset.done $0x0  }
0xee: {  	[sflag:s15] =	ssyncadd.s32 $0xFFFFC000  }
0xef: {  	[spmem:s22] =	stream.linear.scatter [tilespmem:s14], [sflag:$0x5], $0x4000, $0x38;
	[tilespmem:$0x1D400] =	vst v63  }
0xf0: {  	_ =	swait.ge [sflag:s15], $0x4000  }
0xf1: {  	[sflag:s15] =	ssyncset.done $0x0  }
0xf2: {  	[sflag:s15] =	ssyncadd.s32 $0xFFFFC000  }
0xf3: {  	[spmem:s21] =	stream.linear.scatter [tilespmem:s14], [sflag:$0x5], $0x4000, $0x38;
	[tilespmem:$0x1D400] =	vst v63  }
0xf4: {  	_ =	swait.ge [sflag:s15], $0x4000  }
0xf5: {  	[sflag:s15] =	ssyncset.done $0x0  }
0xf6: {  	[sflag:s15] =	ssyncadd.s32 $0xFFFFC000  }
0xf7: {  	[spmem:s23] =	stream.linear.scatter [tilespmem:s14], [sflag:$0x5], $0x4000, $0x38;
	[tilespmem:$0x1D400] =	vst v63  }
0xf8: {  	_ =	swait.ge [sflag:s15], $0x4000  }
0xf9: {  	[sflag:s15] =	ssyncset.done $0x0  }
0xfa: {  	[sflag:s15] =	ssyncadd.s32 $0xFFFFC000  }
0xfb: {  	[spmem:s13] =	stream.linear.scatter [tilespmem:s14], [sflag:$0x5], $0x4000, $0x38;
	[tilespmem:$0x1D400] =	vst v63  }
0xfc: {  	_ =	swait.ge [sflag:s15], $0x4000  }
0xfd: {  	[sflag:s15] =	ssyncset.done $0x0  }
0xfe: {  	s21 =	rddreg [dreg:$0x11];
	[sflag:s15] =	ssyncadd.s32 $0xFFFFC000  }
0xff: {  	[tilespmem:s14], [sflag:$0x5] =	stream.linear.gather [hbm4b:s21+s19], $0x4000, $0x38;
	[tilespmem:$0x1D400] =	vst v63  }
0x100: {  	_ =	swait.ge [sflag:s15], $0x4000  }
0x101: {  	[sflag:s15] =	ssyncset.done $0x0  }
0x102: {  	[sflag:s15] =	ssyncadd.s32 $0xFFFFC000  }
0x103: {  	[bflag:$0x0] =	sbarrier.arrive $0xFFFF  }
0x104: {  	s22 =	rddreg [dreg:$0x1a]  }
0x105: {  	[tilespmem:s24], [sflag:$0x5] =	stream.linear.gather [hbm4b:s22+s19], $0x80, $0x38;
	[tilespmem:$0x1D400] =	vst v63  }
0x106: {  	_ =	swait.ge [sflag:s15], $0x80  }
0x107: {  	[sflag:s15] =	ssyncset.done $0x0  }
0x108: {  	s21 =	rddreg [dreg:$0x18];
	[sflag:s15] =	ssyncadd.s32 $0xFFFFFF80  }
0x109: {  	[tilespmem:s31], [sflag:$0x5] =	stream.linear.gather [hbm4b:s21+s19], $0x80, $0x38;
	[tilespmem:$0x1D400] =	vst v63  }
0x10a: {  	_ =	swait.ge [sflag:s15], $0x80  }
0x10b: {  	s22 =	sld [smem:$0x7FC]  }
0x10c: {  	[sflag:s15] =	ssyncset.done $0x0  }
0x10d: {  	[sflag:s15] =	ssyncadd.s32 $0xFFFFFF80  }
0x10e: {  	[tilespmem:s11], [sflag:$0x5] =	stream.linear.gather [hbm4b:s22+s19], $0x80, $0x38;
	[tilespmem:$0x1D400] =	vst v63  }
0x10f: {  	_ =	swait.ge [sflag:s15], $0x80  }
0x110: {  	[sflag:s15] =	ssyncset.done $0x0  }
0x111: {  	[sflag:s15] =	ssyncadd.s32 $0xFFFFFF80  }
0x112: {  	[tilespmem:s30], [sflag:$0x5] =	stream.linear.gather [hbm4b:s0+s19], $0x80, $0x38;
	[tilespmem:$0x1D400] =	vst v63  }
0x113: {  	_ =	swait.ge [sflag:s15], $0x80  }
0x114: {  	[sflag:s15] =	ssyncset.done $0x0  }
0x115: {  	[sflag:s15] =	ssyncadd.s32 $0xFFFFFF80  }
0x116: {  	[spmem:s4] =	stream.indirect.scatter.add.f32 [tilespmem:s14], [sflag:$0x1], $0x80, s24, s26, $0xb8;
	[tilespmem:$0x1D400] =	vst v63  }
0x117: {  	_ = 	snop  }
0x118: {  	[spmem:s4] =	stream.indirect.scatter.add.f32 [tilespmem:s14], [sflag:$0x2], $0x80, s31, s26, $0xb8;
	[tilespmem:$0x1D400] =	vst v63  }
0x119: {  	_ = 	snop  }
0x11a: {  	[spmem:s4] =	stream.indirect.scatter.add.f32 [tilespmem:s14], [sflag:$0x3], $0x80, s11, s26, $0xb8;
	[tilespmem:$0x1D400] =	vst v63  }
0x11b: {  	_ = 	snop  }
0x11c: {  	[spmem:s4] =	stream.indirect.scatter.add.f32 [tilespmem:s14], [sflag:$0x4], $0x80, s30, s26, $0xb8;
	[tilespmem:$0x1D400] =	vst v63  }
0x11d: {  	_ =	swait.ge [sflag:s9], $0x4000  }
0x11e: {  	s20 =	rddreg [dreg:$0x1f]  }
0x11f: {  	[sflag:s9] =	ssyncset.done $0x0;
	s21 =	sshrl.u32 s20, $0x3  }
0x120: {  	[sflag:s9] =	ssyncadd.s32 $0xFFFFC000;
	s19 =	sadd.s32 s3, s21  }
0x121: {  	[tilespmem:s24], [sflag:$0x6] =	stream.linear.gather [hbm4b:s19+s6], $0x80, $0x38;
	[tilespmem:$0x1D400] =	vst v63  }
0x122: {  	_ =	swait.ge [sflag:s25], $0x80  }
0x123: {  	[sflag:s25] =	ssyncset.done $0x0  }
0x124: {  	[sflag:s25] =	ssyncadd.s32 $0xFFFFFF80  }
0x125: {  	_ =	swait.ge [sflag:s17], $0x4000  }
0x126: {  	[sflag:s17] =	ssyncset.done $0x0  }
0x127: {  	s22 =	sadd.s32 $0x0, s10;
	[sflag:s17] =	ssyncadd.s32 $0xFFFFC000  }
0x128: {  	[tilespmem:s31], [sflag:$0x6] =	stream.linear.gather [hbm4b:s22+s6], $0x80, $0x38;
	[tilespmem:$0x1D400] =	vst v63  }
0x129: {  	_ =	swait.ge [sflag:s25], $0x80  }
0x12a: {  	[sflag:s25] =	ssyncset.done $0x0  }
0x12b: {  	[sflag:s25] =	ssyncadd.s32 $0xFFFFFF80  }
0x12c: {  	_ =	swait.ge [sflag:s18], $0x4000  }
0x12d: {  	[sflag:s18] =	ssyncset.done $0x0  }
0x12e: {  	s21 =	sadd.s32 $0x0, s8;
	[sflag:s18] =	ssyncadd.s32 $0xFFFFC000  }
0x12f: {  	[tilespmem:s11], [sflag:$0x6] =	stream.linear.gather [hbm4b:s21+s6], $0x80, $0x38;
	[tilespmem:$0x1D400] =	vst v63  }
0x130: {  	_ =	swait.ge [sflag:s25], $0x80  }
0x131: {  	[sflag:s25] =	ssyncset.done $0x0  }
0x132: {  	[sflag:s25] =	ssyncadd.s32 $0xFFFFFF80  }
0x133: {  	_ =	swait.ge [sflag:s28], $0x4000  }
0x134: {  	[sflag:s28] =	ssyncset.done $0x0  }
0x135: {  	s22 =	sadd.s32 $0x0, s7;
	[sflag:s28] =	ssyncadd.s32 $0xFFFFC000  }
0x136: {  	[tilespmem:s30], [sflag:$0x5] =	stream.linear.gather [hbm4b:s22+s6], $0x80, $0x38;
	[tilespmem:$0x1D400] =	vst v63  }
0x137: {  	_ =	swait.ge [sflag:s15], $0x80  }
0x138: {  	s19 =	simm.s32 $0x40;
	[sflag:s15] =	ssyncset.done $0x0  }
.LBB2_4:
0x139: {  	p0 =	sne.s32 s19, $0x940;
	[sflag:s15] =	ssyncadd.s32 $0xFFFFFF80;
	s20 =	sadd.s32 $0x200, s20  }
0x13a: {  	[spmem:s4] =	stream.indirect.scatter.add.f32 [tilespmem:s14], [sflag:$0x1], $0x80, s24, s26, $0xb8;
	[tilespmem:$0x1D400] =	vst v63  }
0x13b: {  	s21 =	smov.u32 s19;
	s19 =	sadd.s32 $0x40, s19  }
0x13c: {  	[spmem:s4] =	stream.indirect.scatter.add.f32 [tilespmem:s14], [sflag:$0x2], $0x80, s31, s26, $0xb8;
	[tilespmem:$0x1D400] =	vst v63  }
0x13d: {  	_ = 	snop  }
0x13e: {  	[spmem:s4] =	stream.indirect.scatter.add.f32 [tilespmem:s14], [sflag:$0x3], $0x80, s11, s26, $0xb8;
	[tilespmem:$0x1D400] =	vst v63  }
0x13f: {  	_ = 	snop  }
0x140: {  	[spmem:s4] =	stream.indirect.scatter.add.f32 [tilespmem:s14], [sflag:$0x4], $0x80, s30, s26, $0xb8;
	[tilespmem:$0x1D400] =	vst v63  }
0x141: {  	_ =	swait.ge [sflag:s9], $0x4000  }
0x142: {  	s22 =	sshrl.u32 s20, $0x3;
	[sflag:s9] =	ssyncset.done $0x0  }
0x143: {  	s22 =	sadd.s32 s3, s22;
	[sflag:s9] =	ssyncadd.s32 $0xFFFFC000  }
0x144: {  	[tilespmem:s24], [sflag:$0x6] =	stream.linear.gather [hbm4b:s22+s6], $0x80, $0x38;
	[tilespmem:$0x1D400] =	vst v63  }
0x145: {  	_ =	swait.ge [sflag:s25], $0x80  }
0x146: {  	[sflag:s25] =	ssyncset.done $0x0  }
0x147: {  	[sflag:s25] =	ssyncadd.s32 $0xFFFFFF80  }
0x148: {  	_ =	swait.ge [sflag:s17], $0x4000  }
0x149: {  	[sflag:s17] =	ssyncset.done $0x0  }
0x14a: {  	s22 =	sadd.s32 s21, s10;
	[sflag:s17] =	ssyncadd.s32 $0xFFFFC000  }
0x14b: {  	[tilespmem:s31], [sflag:$0x6] =	stream.linear.gather [hbm4b:s22+s6], $0x80, $0x38;
	[tilespmem:$0x1D400] =	vst v63  }
0x14c: {  	_ =	swait.ge [sflag:s25], $0x80  }
0x14d: {  	[sflag:s25] =	ssyncset.done $0x0  }
0x14e: {  	[sflag:s25] =	ssyncadd.s32 $0xFFFFFF80  }
0x14f: {  	_ =	swait.ge [sflag:s18], $0x4000  }
0x150: {  	[sflag:s18] =	ssyncset.done $0x0  }
0x151: {  	s22 =	sadd.s32 s21, s8;
	[sflag:s18] =	ssyncadd.s32 $0xFFFFC000  }
0x152: {  	[tilespmem:s11], [sflag:$0x6] =	stream.linear.gather [hbm4b:s22+s6], $0x80, $0x38;
	[tilespmem:$0x1D400] =	vst v63  }
0x153: {  	_ =	swait.ge [sflag:s25], $0x80  }
0x154: {  	[sflag:s25] =	ssyncset.done $0x0  }
0x155: {  	[sflag:s25] =	ssyncadd.s32 $0xFFFFFF80  }
0x156: {  	_ =	swait.ge [sflag:s28], $0x4000  }
.Ltmp1:
0x157: {  	[sflag:s28] =	ssyncset.done $0x0;
	(pc) =	sbr.rel @p0 .LBB2_4-.Ltmp1, $4  }
0x158: {  	s21 =	sadd.s32 s21, s7;
	[sflag:s28] =	ssyncadd.s32 $0xFFFFC000  }
0x159: {  	[tilespmem:s30], [sflag:$0x5] =	stream.linear.gather [hbm4b:s21+s6], $0x80, $0x38;
	[tilespmem:$0x1D400] =	vst v63  }
0x15a: {  	_ =	swait.ge [sflag:s15], $0x80  }
0x15b: {  	[sflag:s15] =	ssyncset.done $0x0  }
0x15c: {  	[sflag:s15] =	ssyncadd.s32 $0xFFFFFF80  }
0x15d: {  	[spmem:s4] =	stream.indirect.scatter.add.f32 [tilespmem:s14], [sflag:$0x1], $0x80, s24, s26, $0xb8;
	[tilespmem:$0x1D400] =	vst v63  }
0x15e: {  	_ = 	snop  }
0x15f: {  	[spmem:s4] =	stream.indirect.scatter.add.f32 [tilespmem:s14], [sflag:$0x2], $0x80, s31, s26, $0xb8;
	[tilespmem:$0x1D400] =	vst v63  }
0x160: {  	_ = 	snop  }
0x161: {  	[spmem:s4] =	stream.indirect.scatter.add.f32 [tilespmem:s14], [sflag:$0x3], $0x80, s11, s26, $0xb8;
	[tilespmem:$0x1D400] =	vst v63  }
0x162: {  	_ = 	snop  }
0x163: {  	[spmem:s4] =	stream.indirect.scatter.add.f32 [tilespmem:s14], [sflag:$0x4], $0x80, s30, s26, $0xb8;
	[tilespmem:$0x1D400] =	vst v63  }
0x164: {  	_ =	swait.ge [sflag:s9], $0x4000  }
0x165: {  	[sflag:s9] =	ssyncset.done $0x0  }
0x166: {  	[sflag:s9] =	ssyncadd.s32 $0xFFFFC000  }
0x167: {  	_ =	swait.ge [sflag:s17], $0x4000  }
0x168: {  	[sflag:s17] =	ssyncset.done $0x0  }
0x169: {  	[sflag:s17] =	ssyncadd.s32 $0xFFFFC000  }
0x16a: {  	_ =	swait.ge [sflag:s18], $0x4000  }
0x16b: {  	[sflag:s18] =	ssyncset.done $0x0  }
0x16c: {  	[sflag:s18] =	ssyncadd.s32 $0xFFFFC000  }
0x16d: {  	_ =	swait.ge [sflag:s28], $0x4000  }
0x16e: {  	[sflag:s28] =	ssyncset.done $0x0  }
0x16f: {  	s20 =	simm.s32 $0x14200;
	s19 =	rddreg [dreg:$0x1c];
	[sflag:s28] =	ssyncadd.s32 $0xFFFFC000  }
0x170: {  	[tilespmem:s20], [sflag:$0x5] =	stream.linear.gather [hbm4b:s19+s6], $0x20, $0x38;
	[tilespmem:$0x1D400] =	vst v63  }
0x171: {  	_ =	swait.ge [sflag:s15], $0x20  }
0x172: {  	[sflag:s15] =	ssyncset.done $0x0  }
0x173: {  	s21 =	simm.s32 $0x1C400;
	s22 =	rddreg [dreg:$0x11];
	[sflag:s15] =	ssyncadd.s32 $0xFFFFFFE0  }
0x174: {  	[tilespmem:s21], [sflag:$0x5] =	stream.linear.gather [hbm4b:s22+s6], $0x1000, $0x38;
	[tilespmem:$0x1D400] =	vst v63  }
0x175: {  	_ =	swait.ge [sflag:s15], $0x1000  }
0x176: {  	[sflag:s15] =	ssyncset.done $0x0  }
0x177: {  	s22 =	simm.s32 $0x20;
	[sflag:s15] =	ssyncadd.s32 $0xFFFFF000  }
0x178: {  	[spmem:s4] =	stream.indirect.scatter.add.f32 [tilespmem:s21], [sflag:$0x5], $0x80, s20, s22, $0xb8;
	[tilespmem:$0x1D400] =	vst v63  }
0x179: {  	_ =	swait.ge [sflag:s15], $0x1000  }
0x17a: {  	[sflag:s15] =	ssyncset.done $0x0  }
0x17b: {  	[sflag:s15] =	ssyncadd.s32 $0xFFFFF000  }
0x17c: {  	[bflag:$0x0] =	sbarrier.arrive $0xFFFF  }
0x17d: {  	s20 =	rddreg [dreg:$0x12]  }
0x17e: {  	[tilespmem:s14], [sflag:$0x5] =	stream.linear.gather [spmem:s20], $0x4000, $0x38;
	[tilespmem:$0x1D400] =	vst v63  }
0x17f: {  	_ =	swait.ge [sflag:s15], $0x4000  }
0x180: {  	[sflag:s15] =	ssyncset.done $0x0  }
0x181: {  	s21 =	rddreg [dreg:$0xb];
	[sflag:s15] =	ssyncadd.s32 $0xFFFFC000  }
0x182: {  	[hbm4b:s21+s6] =	stream.linear.scatter [tilespmem:s14], [sflag:$0x5], $0x4000, $0x38;
	[tilespmem:$0x1D400] =	vst v63  }
0x183: {  	_ =	swait.ge [sflag:s15], $0x4000  }
0x184: {  	[sflag:s15] =	ssyncset.done $0x0  }
0x185: {  	s21 =	rddreg [dreg:$0x13];
	[sflag:s15] =	ssyncadd.s32 $0xFFFFC000  }
0x186: {  	[tilespmem:s14], [sflag:$0x5] =	stream.linear.gather [spmem:s21], $0x4000, $0x38;
	[tilespmem:$0x1D400] =	vst v63  }
0x187: {  	_ =	swait.ge [sflag:s15], $0x4000  }
0x188: {  	[sflag:s15] =	ssyncset.done $0x0  }
0x189: {  	s22 =	rddreg [dreg:$0xc];
	[sflag:s15] =	ssyncadd.s32 $0xFFFFC000  }
0x18a: {  	[hbm4b:s22+s6] =	stream.linear.scatter [tilespmem:s14], [sflag:$0x5], $0x4000, $0x38;
	[tilespmem:$0x1D400] =	vst v63  }
0x18b: {  	_ =	swait.ge [sflag:s15], $0x4000  }
0x18c: {  	[sflag:s15] =	ssyncset.done $0x0  }
0x18d: {  	s22 =	rddreg [dreg:$0x14];
	[sflag:s15] =	ssyncadd.s32 $0xFFFFC000  }
0x18e: {  	[tilespmem:s14], [sflag:$0x5] =	stream.linear.gather [spmem:s22], $0x4000, $0x38;
	[tilespmem:$0x1D400] =	vst v63  }
0x18f: {  	_ =	swait.ge [sflag:s15], $0x4000  }
0x190: {  	[sflag:s15] =	ssyncset.done $0x0  }
0x191: {  	s20 =	rddreg [dreg:$0xd];
	[sflag:s15] =	ssyncadd.s32 $0xFFFFC000  }
0x192: {  	[hbm4b:s20+s6] =	stream.linear.scatter [tilespmem:s14], [sflag:$0x5], $0x4000, $0x38;
	[tilespmem:$0x1D400] =	vst v63  }
0x193: {  	_ =	swait.ge [sflag:s15], $0x4000  }
0x194: {  	[sflag:s15] =	ssyncset.done $0x0  }
0x195: {  	[sflag:s15] =	ssyncadd.s32 $0xFFFFC000  }
0x196: {  	[tilespmem:s14], [sflag:$0x5] =	stream.linear.gather [spmem:s23], $0x4000, $0x38;
	[tilespmem:$0x1D400] =	vst v63  }
0x197: {  	_ =	swait.ge [sflag:s15], $0x4000  }
0x198: {  	[sflag:s15] =	ssyncset.done $0x0  }
0x199: {  	s20 =	rddreg [dreg:$0xe];
	[sflag:s15] =	ssyncadd.s32 $0xFFFFC000  }
0x19a: {  	[hbm4b:s20+s6] =	stream.linear.scatter [tilespmem:s14], [sflag:$0x5], $0x4000, $0x38;
	[tilespmem:$0x1D400] =	vst v63  }
0x19b: {  	_ =	swait.ge [sflag:s15], $0x4000  }
0x19c: {  	[sflag:s15] =	ssyncset.done $0x0  }
0x19d: {  	[sflag:s15] =	ssyncadd.s32 $0xFFFFC000  }
0x19e: {  	[tilespmem:s14], [sflag:$0x5] =	stream.linear.gather [spmem:s13], $0x4000, $0x38;
	[tilespmem:$0x1D400] =	vst v63  }
0x19f: {  	_ =	swait.ge [sflag:s15], $0x4000  }
0x1a0: {  	[sflag:s15] =	ssyncset.done $0x0  }
0x1a1: {  	s20 =	rddreg [dreg:$0xf];
	[sflag:s15] =	ssyncadd.s32 $0xFFFFC000  }
0x1a2: {  	[hbm4b:s20+s6] =	stream.linear.scatter [tilespmem:s14], [sflag:$0x5], $0x4000, $0x38;
	[tilespmem:$0x1D400] =	vst v63  }
0x1a3: {  	_ =	swait.ge [sflag:s15], $0x4000  }
0x1a4: {  	s19 =	sld [smem:$0x7FD];
	_ =	sdelay $0x1  }
0x1a5: {  	s20 =	smov.u32 s23  }
0x1a6: {  	s23 =	smov.u32 s13;
	s13 =	sadd.s32 $0x1, s19;
	s19 =	rddreg [dreg:$0x1d]  }
0x1a7: {  	p0 =	sne.s32 s13, s19  }
.Ltmp2:
0x1a8: {  	_ = 	snop;
	(pc) =	sbr.rel @p0 .LBB2_1-.Ltmp2, $3  }
0x1a9: {  	_ =	sdelay $0x1  }
0x1aa: {  	[sflag:s15] =	ssyncset.done $0x0;
	[smem:$0x7FD] =	sst s13  }
0x1ab: {  	[sflag:s15] =	ssyncadd.s32 $0xFFFFC000;
	s13 =	smov.u32 s23;
	s23 =	rddreg [dreg:$0x10]  }
0x1ac: {  	_ =	sfence.sel $0x180000  }
0x1ad: {  	[bflag:$0x0] =	sbarrier.arrive $0xFFFF  }
0x1ae: {  	_ =	strace $0x90000047  }
0x1af: {  	s0 =	stileid.u32;
	[bflag:$0x2] =	sbarrier.arrive $0xFFFF  }
0x1b0: {  	p0 =	sne.s32 s0, $0x0;
	s0 =	rddreg [dreg:$0x5]  }
0x1b1: {  	s0 =	sadd.s32 @!p0 $0x100000, s0  }
0x1b2: {  	[sflag:s0] =	ssyncadd.tile.s32 @!p0 $0x1;
	_ =	shalt  }
.Lfunc_end2:
_tile_overlayer_lowered:
.L_overlay_start_2:
0x1b3: {  	(tag) =	ssettag $0x2  }
0x1b4: {  	s0 =	rddreg [dreg:$0x0];
	s2 =	stileid.u32  }
0x1b5: {  	s1 =	rddreg [dreg:$0x1];
	p0 =	sne.s32 s2, $0x0  }
0x1b6: {  	s3 =	rddreg [dreg:$0x2];
	[bflag:$0x3] =	sbarrier.arrive $0xFFFF;
	s2 =	simm.s32 @!p0 $0x1C05  }
0x1b7: {  	[timem:s3], [sflag:s2] =	dma.local @!p0 [hbm:s0], s1  }
0x1b8: {  	s0 =	simm.s32 @!p0 $0x5  }
0x1b9: {  	_ =	swait.ge @!p0 [sflag:s0], s1  }
0x1ba: {  	s1 =	ssub.s32 @!p0 $0x0, s1;
	[sflag:s0] =	ssyncset.done @!p0 $0x0  }
0x1bb: {  	[sflag:s0] =	ssyncadd.s32 @!p0 s1  }
0x1bc: {  	[bflag:$0x3] =	sbarrier.arrive $0xFFFF  }
0x1bd: {  	_ =	shalt  }

</sc_bundles>
